<compile_context>
chip_gen: v7x
topology: tpu7x:2x2x1
jax: 0.10.2.dev20260603
libtpu: 0.0.44.dev20260713+nightly
codegen_flags: <defaults>
</compile_context>

<pallas_src>
import functools

import jax
import jax.numpy as jnp
from jax import lax
from jax.experimental import pallas as pl
from jax.experimental.pallas import tpu as pltpu
from jax.experimental.pallas import tpu_sc as plsc

_NUM_CORES = 2
_NUM_SUBCORES = 16
_NW = _NUM_CORES * _NUM_SUBCORES

_A = 4096
_S = 50
_D = 300
_ROWS_W = _A // _NW
_TAIL_OFF = 172
_TAIL_IN = 256 - _TAIL_OFF


def _make_gather():
  mesh = plsc.VectorSubcoreMesh(core_axis_name="c", subcore_axis_name="s")

  @functools.partial(
      pl.kernel,
      mesh=mesh,
      compiler_params=pltpu.CompilerParams(needs_layout_passes=False),
      out_type=jax.ShapeDtypeStruct((_A, _S, _D), jnp.float32),
      scratch_types=[
          pltpu.VMEM((_ROWS_W, _S), jnp.int32),
          pltpu.VMEM((_S, _D), jnp.float32),
          pltpu.VMEM((_S, _D), jnp.float32),
          pltpu.VMEM((_S, 128), jnp.float32),
          pltpu.VMEM((_S, 128), jnp.float32),
          pltpu.SemaphoreType.DMA,
          pltpu.SemaphoreType.DMA,
      ],
  )
  def gather_kernel(idx_hbm, table_hbm, tail_hbm, out_hbm,
                    idx_v, buf0, buf1, tl0, tl1, sem0, sem1):
    wid = lax.axis_index("s") * _NUM_CORES + lax.axis_index("c")
    base = wid * _ROWS_W

    pltpu.sync_copy(idx_hbm.at[pl.ds(base, _ROWS_W)], idx_v)

    def start(j, buf, tl, sem):
      idx = idx_v.at[j]
      pltpu.make_async_copy(
          table_hbm.at[idx, pl.ds(0, 128)],
          buf.at[:, pl.ds(0, 128)], sem).start()
      pltpu.make_async_copy(
          table_hbm.at[idx, pl.ds(128, 128)],
          buf.at[:, pl.ds(128, 128)], sem).start()
      pltpu.make_async_copy(tail_hbm.at[idx], tl, sem).start()

    def wait(buf, tl, sem):
      pltpu.make_async_copy(
          table_hbm.at[idx_v.at[0], pl.ds(0, 128)],
          buf.at[:, pl.ds(0, 128)], sem).wait()
      pltpu.make_async_copy(
          table_hbm.at[idx_v.at[0], pl.ds(128, 128)],
          buf.at[:, pl.ds(128, 128)], sem).wait()
      pltpu.make_async_copy(tail_hbm.at[idx_v.at[0]], tl, sem).wait()

    cols = 284 + lax.iota(jnp.int32, 16)

    def compact_and_store(j, buf, tl):
      def row(i, _):
        buf[i, pl.ds(256, 16)] = tl[i, pl.ds(_TAIL_IN, 16)]
        buf[i, pl.ds(272, 16)] = tl[i, pl.ds(_TAIL_IN + 16, 16)]
        rows = jnp.full((16,), i, jnp.int32)
        plsc.store_scatter(buf, [rows, cols], tl[i, pl.ds(_TAIL_IN + 28, 16)])
        return ()
      lax.fori_loop(0, _S, row, ())
      pltpu.sync_copy(buf, out_hbm.at[base + j])

    start(0, buf0, tl0, sem0)
    start(1, buf1, tl1, sem1)

    def body(i, _):
      j0 = 2 * i
      j1 = 2 * i + 1

      wait(buf0, tl0, sem0)
      compact_and_store(j0, buf0, tl0)

      @pl.when(j0 + 2 < _ROWS_W)
      def _():
        start(j0 + 2, buf0, tl0, sem0)

      wait(buf1, tl1, sem1)
      compact_and_store(j1, buf1, tl1)

      @pl.when(j1 + 2 < _ROWS_W)
      def _():
        start(j1 + 2, buf1, tl1, sem1)

      return ()

    lax.fori_loop(0, _ROWS_W // 2, body, ())

  return gather_kernel


_gather = _make_gather()


def kernel(x, table):
  idx = x.astype(jnp.int32)
  tail = table[:, _TAIL_OFF:]
  return _gather(idx, table, tail)

# --- scband reference (transcript-rebuilt; emitter-appended) ---
"""Pipeline reference for scband-embedding-seq-49830210568606 (READ-ONLY COPY).

The authoritative reference and input builder live on the scoring server;
editing this copy changes nothing except your own understanding.
"""

import jax, jax.numpy as jnp
import numpy as np

NUM_EMBEDDINGS = 100000
EMBEDDING_DIM = 300

def setup_inputs(seed: int = 0) -> dict:
    key = jax.random.key(seed)
    k1, k2 = jax.random.split(key)
    x = jax.random.randint(k1, (4096, 50), 0, NUM_EMBEDDINGS, dtype=jnp.int64 if jax.config.jax_enable_x64 else jnp.int32)
    table = jax.random.normal(k2, (NUM_EMBEDDINGS, EMBEDDING_DIM), dtype=jnp.float32)
    return {"x": x, "table": table}

def reference(x, table):
    # EmbeddingSeq.forward: out = self.embedding(x.long())
    idx = x.astype(jnp.int32)
    out = jnp.take(table, idx, axis=0)
    return out

if __name__ == "__main__":
    import jax
    _d = setup_inputs()
    print(jax.jit(kernel)(*tuple(_d.values())))

</pallas_src>

<mosaic_0001>
#map = affine_map<(d0, d1) -> (0, 0)>
#map1 = affine_map<(d0, d1) -> (0, 0, 0)>
module attributes {stable_mosaic.version = 14 : i64} {
  func.func @gather_kernel(%arg0: i32, %arg1: i32, %arg2: memref<4096x50xi32, #tpu.memory_space<hbm>>, %arg3: memref<100000x300xf32, #tpu.memory_space<hbm>>, %arg4: memref<100000x128xf32, #tpu.memory_space<hbm>>, %arg5: memref<4096x50x300xf32, #tpu.memory_space<hbm>>, %arg6: memref<128x50xi32, #tpu.memory_space<vmem>>, %arg7: memref<50x300xf32, #tpu.memory_space<vmem>>, %arg8: memref<50x300xf32, #tpu.memory_space<vmem>>, %arg9: memref<50x128xf32, #tpu.memory_space<vmem>>, %arg10: memref<50x128xf32, #tpu.memory_space<vmem>>, %arg11: memref<!tpu.dma_semaphore, #tpu.memory_space<semaphore_mem>>, %arg12: memref<!tpu.dma_semaphore, #tpu.memory_space<semaphore_mem>>) attributes {dimension_semantics = [#tpu.dimension_semantics<core_parallel>, #tpu.dimension_semantics<subcore_parallel>], iteration_bounds = array<i64: 2, 16>, scalar_prefetch = 0 : i64, scratch_operands = 7 : i64, tpu.core_type = #tpu.core_type<sc_vector_subcore>, window_params = [{transform_indices = #map}, {transform_indices = #map}, {transform_indices = #map}, {transform_indices = #map1}]} {
    %mul3A = arith.constant 2 : i32
    %mul3A_0 = arith.muli %arg1, %mul3A : i32
    %add3A = arith.addi %mul3A_0, %arg0 : i32
    %mul3A_1 = arith.constant 128 : i32
    %mul3A_2 = arith.muli %add3A, %mul3A_1 : i32
    "tpu.region"() ({
      %run_scoped3A = tpu.sem_alloc : memref<!tpu.dma_semaphore, #tpu.memory_space<semaphore_mem>>
      %dma_start3A_63 = arith.constant 0 : i32
      %dma_start3A_64 = tpu.memref_slice %arg2[%mul3A_2, %dma_start3A_63] : memref<4096x50xi32, #tpu.memory_space<hbm>> -> memref<128x50xi32, #tpu.memory_space<hbm>>
      %dma_start3A_65 = arith.constant 0 : i32
      %dma_start3A_66 = tpu.memref_slice %arg2[%mul3A_2, %dma_start3A_65] : memref<4096x50xi32, #tpu.memory_space<hbm>> -> memref<128x50xi32, #tpu.memory_space<hbm>>
      tpu.enqueue_dma source(%dma_start3A_66 : memref<128x50xi32, #tpu.memory_space<hbm>>) target(%arg6 : memref<128x50xi32, #tpu.memory_space<vmem>>) target_semaphore(%run_scoped3A : memref<!tpu.dma_semaphore, #tpu.memory_space<semaphore_mem>>)
      %dma_wait3A = arith.constant 0 : i32
      %dma_wait3A_67 = tpu.memref_slice %arg2[%mul3A_2, %dma_wait3A] : memref<4096x50xi32, #tpu.memory_space<hbm>> -> memref<128x50xi32, #tpu.memory_space<hbm>>
      %dma_wait3A_68 = arith.constant 0 : i32
      %dma_wait3A_69 = tpu.memref_slice %arg2[%mul3A_2, %dma_wait3A_68] : memref<4096x50xi32, #tpu.memory_space<hbm>> -> memref<128x50xi32, #tpu.memory_space<hbm>>
      tpu.wait_dma2 semaphore(%run_scoped3A : memref<!tpu.dma_semaphore, #tpu.memory_space<semaphore_mem>>) src(%dma_wait3A_69 : memref<128x50xi32, #tpu.memory_space<hbm>>) dst(%arg6 : memref<128x50xi32, #tpu.memory_space<vmem>>)
      tpu.yield
    }) : () -> ()
    %iota3A = tpu.iota {dimensions = array<i32: 0>} : vector<16xi32>
    %add3A_3 = arith.constant 284 : i32
    %add3A_4 = vector.broadcast %add3A_3 : i32 to vector<16xi32>
    %add3A_5 = arith.addi %add3A_4, %iota3A : vector<16xi32>
    %dma_start3A = arith.constant 0 : i32
    %dma_start3A_6 = arith.constant 0 : i32
    %dma_start3A_7 = arith.constant 0 : i32
    %dma_start3A_8 = tpu.memref_slice %arg7[%dma_start3A_6, %dma_start3A_7] : memref<50x300xf32, #tpu.memory_space<vmem>> -> memref<50x128xf32, #tpu.memory_space<vmem>>
    %dma_start3A_9 = arith.constant 0 : i32
    %dma_start3A_10 = tpu.memref_slice %arg6[%dma_start3A, %dma_start3A_9] : memref<128x50xi32, #tpu.memory_space<vmem>> -> memref<1x50xi32, #tpu.memory_space<vmem>>
    %dma_start3A_11 = tpu.memref_squeeze %dma_start3A_10 : memref<1x50xi32, #tpu.memory_space<vmem>> -> memref<50xi32, #tpu.memory_space<vmem>>
    %dma_start3A_12 = arith.constant 0 : i32
    %dma_start3A_13 = arith.constant 0 : i32
    %dma_start3A_14 = tpu.memref_slice %arg3[%dma_start3A_12, %dma_start3A_13] : memref<100000x300xf32, #tpu.memory_space<hbm>> -> memref<100000x128xf32, #tpu.memory_space<hbm>>
    tpu.enqueue_indirect_dma source(%dma_start3A_14 : memref<100000x128xf32, #tpu.memory_space<hbm>>) target(%dma_start3A_8 : memref<50x128xf32, #tpu.memory_space<vmem>>) offsets(%dma_start3A_11 : memref<50xi32, #tpu.memory_space<vmem>>) semaphore(%arg11 : memref<!tpu.dma_semaphore, #tpu.memory_space<semaphore_mem>>)
    %dma_start3A_15 = arith.constant 0 : i32
    %dma_start3A_16 = arith.constant 0 : i32
    %dma_start3A_17 = arith.constant 128 : i32
    %dma_start3A_18 = tpu.memref_slice %arg7[%dma_start3A_16, %dma_start3A_17] : memref<50x300xf32, #tpu.memory_space<vmem>> -> memref<50x128xf32, #tpu.memory_space<vmem>>
    %dma_start3A_19 = arith.constant 0 : i32
    %dma_start3A_20 = tpu.memref_slice %arg6[%dma_start3A_15, %dma_start3A_19] : memref<128x50xi32, #tpu.memory_space<vmem>> -> memref<1x50xi32, #tpu.memory_space<vmem>>
    %dma_start3A_21 = tpu.memref_squeeze %dma_start3A_20 : memref<1x50xi32, #tpu.memory_space<vmem>> -> memref<50xi32, #tpu.memory_space<vmem>>
    %dma_start3A_22 = arith.constant 0 : i32
    %dma_start3A_23 = arith.constant 128 : i32
    %dma_start3A_24 = tpu.memref_slice %arg3[%dma_start3A_22, %dma_start3A_23] : memref<100000x300xf32, #tpu.memory_space<hbm>> -> memref<100000x128xf32, #tpu.memory_space<hbm>>
    tpu.enqueue_indirect_dma source(%dma_start3A_24 : memref<100000x128xf32, #tpu.memory_space<hbm>>) target(%dma_start3A_18 : memref<50x128xf32, #tpu.memory_space<vmem>>) offsets(%dma_start3A_21 : memref<50xi32, #tpu.memory_space<vmem>>) semaphore(%arg11 : memref<!tpu.dma_semaphore, #tpu.memory_space<semaphore_mem>>)
    %dma_start3A_25 = arith.constant 0 : i32
    %dma_start3A_26 = arith.constant 0 : i32
    %dma_start3A_27 = tpu.memref_slice %arg6[%dma_start3A_25, %dma_start3A_26] : memref<128x50xi32, #tpu.memory_space<vmem>> -> memref<1x50xi32, #tpu.memory_space<vmem>>
    %dma_start3A_28 = tpu.memref_squeeze %dma_start3A_27 : memref<1x50xi32, #tpu.memory_space<vmem>> -> memref<50xi32, #tpu.memory_space<vmem>>
    %dma_start3A_29 = arith.constant 0 : i32
    %dma_start3A_30 = arith.constant 0 : i32
    %dma_start3A_31 = tpu.memref_slice %arg4[%dma_start3A_29, %dma_start3A_30] : memref<100000x128xf32, #tpu.memory_space<hbm>> -> memref<100000x128xf32, #tpu.memory_space<hbm>>
    tpu.enqueue_indirect_dma source(%dma_start3A_31 : memref<100000x128xf32, #tpu.memory_space<hbm>>) target(%arg9 : memref<50x128xf32, #tpu.memory_space<vmem>>) offsets(%dma_start3A_28 : memref<50xi32, #tpu.memory_space<vmem>>) semaphore(%arg11 : memref<!tpu.dma_semaphore, #tpu.memory_space<semaphore_mem>>)
    %dma_start3A_32 = arith.constant 1 : i32
    %dma_start3A_33 = arith.constant 0 : i32
    %dma_start3A_34 = arith.constant 0 : i32
    %dma_start3A_35 = tpu.memref_slice %arg8[%dma_start3A_33, %dma_start3A_34] : memref<50x300xf32, #tpu.memory_space<vmem>> -> memref<50x128xf32, #tpu.memory_space<vmem>>
    %dma_start3A_36 = arith.constant 0 : i32
    %dma_start3A_37 = tpu.memref_slice %arg6[%dma_start3A_32, %dma_start3A_36] : memref<128x50xi32, #tpu.memory_space<vmem>> -> memref<1x50xi32, #tpu.memory_space<vmem>>
    %dma_start3A_38 = tpu.memref_squeeze %dma_start3A_37 : memref<1x50xi32, #tpu.memory_space<vmem>> -> memref<50xi32, #tpu.memory_space<vmem>>
    %dma_start3A_39 = arith.constant 0 : i32
    %dma_start3A_40 = arith.constant 0 : i32
    %dma_start3A_41 = tpu.memref_slice %arg3[%dma_start3A_39, %dma_start3A_40] : memref<100000x300xf32, #tpu.memory_space<hbm>> -> memref<100000x128xf32, #tpu.memory_space<hbm>>
    tpu.enqueue_indirect_dma source(%dma_start3A_41 : memref<100000x128xf32, #tpu.memory_space<hbm>>) target(%dma_start3A_35 : memref<50x128xf32, #tpu.memory_space<vmem>>) offsets(%dma_start3A_38 : memref<50xi32, #tpu.memory_space<vmem>>) semaphore(%arg12 : memref<!tpu.dma_semaphore, #tpu.memory_space<semaphore_mem>>)
    %dma_start3A_42 = arith.constant 1 : i32
    %dma_start3A_43 = arith.constant 0 : i32
    %dma_start3A_44 = arith.constant 128 : i32
    %dma_start3A_45 = tpu.memref_slice %arg8[%dma_start3A_43, %dma_start3A_44] : memref<50x300xf32, #tpu.memory_space<vmem>> -> memref<50x128xf32, #tpu.memory_space<vmem>>
    %dma_start3A_46 = arith.constant 0 : i32
    %dma_start3A_47 = tpu.memref_slice %arg6[%dma_start3A_42, %dma_start3A_46] : memref<128x50xi32, #tpu.memory_space<vmem>> -> memref<1x50xi32, #tpu.memory_space<vmem>>
    %dma_start3A_48 = tpu.memref_squeeze %dma_start3A_47 : memref<1x50xi32, #tpu.memory_space<vmem>> -> memref<50xi32, #tpu.memory_space<vmem>>
    %dma_start3A_49 = arith.constant 0 : i32
    %dma_start3A_50 = arith.constant 128 : i32
    %dma_start3A_51 = tpu.memref_slice %arg3[%dma_start3A_49, %dma_start3A_50] : memref<100000x300xf32, #tpu.memory_space<hbm>> -> memref<100000x128xf32, #tpu.memory_space<hbm>>
    tpu.enqueue_indirect_dma source(%dma_start3A_51 : memref<100000x128xf32, #tpu.memory_space<hbm>>) target(%dma_start3A_45 : memref<50x128xf32, #tpu.memory_space<vmem>>) offsets(%dma_start3A_48 : memref<50xi32, #tpu.memory_space<vmem>>) semaphore(%arg12 : memref<!tpu.dma_semaphore, #tpu.memory_space<semaphore_mem>>)
    %dma_start3A_52 = arith.constant 1 : i32
    %dma_start3A_53 = arith.constant 0 : i32
    %dma_start3A_54 = tpu.memref_slice %arg6[%dma_start3A_52, %dma_start3A_53] : memref<128x50xi32, #tpu.memory_space<vmem>> -> memref<1x50xi32, #tpu.memory_space<vmem>>
    %dma_start3A_55 = tpu.memref_squeeze %dma_start3A_54 : memref<1x50xi32, #tpu.memory_space<vmem>> -> memref<50xi32, #tpu.memory_space<vmem>>
    %dma_start3A_56 = arith.constant 0 : i32
    %dma_start3A_57 = arith.constant 0 : i32
    %dma_start3A_58 = tpu.memref_slice %arg4[%dma_start3A_56, %dma_start3A_57] : memref<100000x128xf32, #tpu.memory_space<hbm>> -> memref<100000x128xf32, #tpu.memory_space<hbm>>
    tpu.enqueue_indirect_dma source(%dma_start3A_58 : memref<100000x128xf32, #tpu.memory_space<hbm>>) target(%arg10 : memref<50x128xf32, #tpu.memory_space<vmem>>) offsets(%dma_start3A_55 : memref<50xi32, #tpu.memory_space<vmem>>) semaphore(%arg12 : memref<!tpu.dma_semaphore, #tpu.memory_space<semaphore_mem>>)
    %scan3A = arith.constant 0 : i32
    %scan3A_59 = arith.constant 64 : i32
    %scan3A_60 = arith.addi %scan3A, %scan3A_59 : i32
    %scan3A_61 = arith.constant 1 : i32
    scf.for %scan3A_63 = %scan3A to %scan3A_60 step %scan3A_61  : i32 {
      %mul3A_64 = arith.constant 2 : i32
      %mul3A_65 = arith.muli %mul3A_64, %scan3A_63 : i32
      %mul3A_66 = arith.constant 2 : i32
      %mul3A_67 = arith.muli %mul3A_66, %scan3A_63 : i32
      %add3A_68 = arith.constant 1 : i32
      %add3A_69 = arith.addi %mul3A_67, %add3A_68 : i32
      %dma_wait3A = arith.constant 0 : i32
      %dma_wait3A_70 = arith.constant 0 : i32
      %dma_wait3A_71 = arith.constant 0 : i32
      %dma_wait3A_72 = tpu.memref_slice %arg7[%dma_wait3A_70, %dma_wait3A_71] : memref<50x300xf32, #tpu.memory_space<vmem>> -> memref<50x128xf32, #tpu.memory_space<vmem>>
      %dma_wait3A_73 = arith.constant 0 : i32
      %dma_wait3A_74 = tpu.memref_slice %arg6[%dma_wait3A, %dma_wait3A_73] : memref<128x50xi32, #tpu.memory_space<vmem>> -> memref<1x50xi32, #tpu.memory_space<vmem>>
      %dma_wait3A_75 = tpu.memref_squeeze %dma_wait3A_74 : memref<1x50xi32, #tpu.memory_space<vmem>> -> memref<50xi32, #tpu.memory_space<vmem>>
      %dma_wait3A_76 = arith.constant 0 : i32
      %dma_wait3A_77 = arith.constant 0 : i32
      %dma_wait3A_78 = tpu.memref_slice %arg3[%dma_wait3A_76, %dma_wait3A_77] : memref<100000x300xf32, #tpu.memory_space<hbm>> -> memref<100000x128xf32, #tpu.memory_space<hbm>>
      tpu.wait_indirect_dma semaphore(%arg11 : memref<!tpu.dma_semaphore, #tpu.memory_space<semaphore_mem>>) src(%dma_wait3A_78 : memref<100000x128xf32, #tpu.memory_space<hbm>>) dst(%dma_wait3A_72 : memref<50x128xf32, #tpu.memory_space<vmem>>)
      %dma_wait3A_79 = arith.constant 0 : i32
      %dma_wait3A_80 = arith.constant 0 : i32
      %dma_wait3A_81 = arith.constant 128 : i32
      %dma_wait3A_82 = tpu.memref_slice %arg7[%dma_wait3A_80, %dma_wait3A_81] : memref<50x300xf32, #tpu.memory_space<vmem>> -> memref<50x128xf32, #tpu.memory_space<vmem>>
      %dma_wait3A_83 = arith.constant 0 : i32
      %dma_wait3A_84 = tpu.memref_slice %arg6[%dma_wait3A_79, %dma_wait3A_83] : memref<128x50xi32, #tpu.memory_space<vmem>> -> memref<1x50xi32, #tpu.memory_space<vmem>>
      %dma_wait3A_85 = tpu.memref_squeeze %dma_wait3A_84 : memref<1x50xi32, #tpu.memory_space<vmem>> -> memref<50xi32, #tpu.memory_space<vmem>>
      %dma_wait3A_86 = arith.constant 0 : i32
      %dma_wait3A_87 = arith.constant 128 : i32
      %dma_wait3A_88 = tpu.memref_slice %arg3[%dma_wait3A_86, %dma_wait3A_87] : memref<100000x300xf32, #tpu.memory_space<hbm>> -> memref<100000x128xf32, #tpu.memory_space<hbm>>
      tpu.wait_indirect_dma semaphore(%arg11 : memref<!tpu.dma_semaphore, #tpu.memory_space<semaphore_mem>>) src(%dma_wait3A_88 : memref<100000x128xf32, #tpu.memory_space<hbm>>) dst(%dma_wait3A_82 : memref<50x128xf32, #tpu.memory_space<vmem>>)
      %dma_wait3A_89 = arith.constant 0 : i32
      %dma_wait3A_90 = arith.constant 0 : i32
      %dma_wait3A_91 = tpu.memref_slice %arg6[%dma_wait3A_89, %dma_wait3A_90] : memref<128x50xi32, #tpu.memory_space<vmem>> -> memref<1x50xi32, #tpu.memory_space<vmem>>
      %dma_wait3A_92 = tpu.memref_squeeze %dma_wait3A_91 : memref<1x50xi32, #tpu.memory_space<vmem>> -> memref<50xi32, #tpu.memory_space<vmem>>
      %dma_wait3A_93 = arith.constant 0 : i32
      %dma_wait3A_94 = arith.constant 0 : i32
      %dma_wait3A_95 = tpu.memref_slice %arg4[%dma_wait3A_93, %dma_wait3A_94] : memref<100000x128xf32, #tpu.memory_space<hbm>> -> memref<100000x128xf32, #tpu.memory_space<hbm>>
      tpu.wait_indirect_dma semaphore(%arg11 : memref<!tpu.dma_semaphore, #tpu.memory_space<semaphore_mem>>) src(%dma_wait3A_95 : memref<100000x128xf32, #tpu.memory_space<hbm>>) dst(%arg9 : memref<50x128xf32, #tpu.memory_space<vmem>>)
      %scan3A_96 = arith.constant 0 : i32
      %scan3A_97 = arith.constant 50 : i32
      %scan3A_98 = arith.addi %scan3A_96, %scan3A_97 : i32
      %scan3A_99 = arith.constant 1 : i32
      scf.for %scan3A_146 = %scan3A_96 to %scan3A_98 step %scan3A_99  : i32 {
        %get3A = arith.index_cast %scan3A_146 : i32 to index
        %get3A_147 = arith.constant 84 : index
        %get3A_148 = tpu.vector_load %arg9[%get3A, %get3A_147] {strides = array<i32>} : memref<50x128xf32, #tpu.memory_space<vmem>>, vector<16xf32>,
        %swap3A = arith.index_cast %scan3A_146 : i32 to index
        %swap3A_149 = arith.constant 256 : index
        %swap3A_150 = tpu.vector_load %arg7[%swap3A, %swap3A_149] {strides = array<i32>} : memref<50x300xf32, #tpu.memory_space<vmem>>, vector<16xf32>,
        tpu.vector_store %arg7[%swap3A, %swap3A_149], %get3A_148 {strides = array<i32>} : memref<50x300xf32, #tpu.memory_space<vmem>>, vector<16xf32>,
        %get3A_151 = arith.index_cast %scan3A_146 : i32 to index
        %get3A_152 = arith.constant 100 : index
        %get3A_153 = tpu.vector_load %arg9[%get3A_151, %get3A_152] {strides = array<i32>} : memref<50x128xf32, #tpu.memory_space<vmem>>, vector<16xf32>,
        %swap3A_154 = arith.index_cast %scan3A_146 : i32 to index
        %swap3A_155 = arith.constant 272 : index
        %swap3A_156 = tpu.vector_load %arg7[%swap3A_154, %swap3A_155] {strides = array<i32>} : memref<50x300xf32, #tpu.memory_space<vmem>>, vector<16xf32>,
        tpu.vector_store %arg7[%swap3A_154, %swap3A_155], %get3A_153 {strides = array<i32>} : memref<50x300xf32, #tpu.memory_space<vmem>>, vector<16xf32>,
        %broadcast_in_dim3A = vector.broadcast %scan3A_146 : i32 to vector<16xi32>
        %get3A_157 = arith.index_cast %scan3A_146 : i32 to index
        %get3A_158 = arith.constant 112 : index
        %get3A_159 = tpu.vector_load %arg9[%get3A_157, %get3A_158] {strides = array<i32>} : memref<50x128xf32, #tpu.memory_space<vmem>>, vector<16xf32>,
        tpu.vector_store_idx %arg7[%broadcast_in_dim3A, %add3A_5], %get3A_159 : memref<50x300xf32, #tpu.memory_space<vmem>>[vector<16xi32>, vector<16xi32>], vector<16xf32>,
      }
      %scan3A_100 = arith.constant 50 : i32
      %add3A_101 = arith.addi %mul3A_2, %mul3A_65 : i32
      "tpu.region"() ({
        %run_scoped3A = tpu.sem_alloc : memref<!tpu.dma_semaphore, #tpu.memory_space<semaphore_mem>>
        %dma_start3A_146 = arith.constant 0 : i32
        %dma_start3A_147 = arith.constant 0 : i32
        %dma_start3A_148 = tpu.memref_slice %arg5[%add3A_101, %dma_start3A_146, %dma_start3A_147] : memref<4096x50x300xf32, #tpu.memory_space<hbm>> -> memref<1x50x300xf32, #tpu.memory_space<hbm>>
        %dma_start3A_149 = tpu.memref_squeeze %dma_start3A_148 : memref<1x50x300xf32, #tpu.memory_space<hbm>> -> memref<50x300xf32, #tpu.memory_space<hbm>>
        %dma_start3A_150 = arith.constant 0 : i32
        %dma_start3A_151 = arith.constant 0 : i32
        %dma_start3A_152 = tpu.memref_slice %arg5[%add3A_101, %dma_start3A_150, %dma_start3A_151] : memref<4096x50x300xf32, #tpu.memory_space<hbm>> -> memref<1x50x300xf32, #tpu.memory_space<hbm>>
        %dma_start3A_153 = tpu.memref_squeeze %dma_start3A_152 : memref<1x50x300xf32, #tpu.memory_space<hbm>> -> memref<50x300xf32, #tpu.memory_space<hbm>>
        tpu.enqueue_dma source(%arg7 : memref<50x300xf32, #tpu.memory_space<vmem>>) target(%dma_start3A_153 : memref<50x300xf32, #tpu.memory_space<hbm>>) target_semaphore(%run_scoped3A : memref<!tpu.dma_semaphore, #tpu.memory_space<semaphore_mem>>)
        %dma_wait3A_154 = arith.constant 0 : i32
        %dma_wait3A_155 = arith.constant 0 : i32
        %dma_wait3A_156 = tpu.memref_slice %arg5[%add3A_101, %dma_wait3A_154, %dma_wait3A_155] : memref<4096x50x300xf32, #tpu.memory_space<hbm>> -> memref<1x50x300xf32, #tpu.memory_space<hbm>>
        %dma_wait3A_157 = tpu.memref_squeeze %dma_wait3A_156 : memref<1x50x300xf32, #tpu.memory_space<hbm>> -> memref<50x300xf32, #tpu.memory_space<hbm>>
        %dma_wait3A_158 = arith.constant 0 : i32
        %dma_wait3A_159 = arith.constant 0 : i32
        %dma_wait3A_160 = tpu.memref_slice %arg5[%add3A_101, %dma_wait3A_158, %dma_wait3A_159] : memref<4096x50x300xf32, #tpu.memory_space<hbm>> -> memref<1x50x300xf32, #tpu.memory_space<hbm>>
        %dma_wait3A_161 = tpu.memref_squeeze %dma_wait3A_160 : memref<1x50x300xf32, #tpu.memory_space<hbm>> -> memref<50x300xf32, #tpu.memory_space<hbm>>
        tpu.wait_dma2 semaphore(%run_scoped3A : memref<!tpu.dma_semaphore, #tpu.memory_space<semaphore_mem>>) src(%arg7 : memref<50x300xf32, #tpu.memory_space<vmem>>) dst(%dma_wait3A_161 : memref<50x300xf32, #tpu.memory_space<hbm>>)
        tpu.yield
      }) : () -> ()
      %add3A_102 = arith.constant 2 : i32
      %add3A_103 = arith.addi %mul3A_65, %add3A_102 : i32
      %lt3A = arith.constant 128 : i32
      %lt3A_104 = arith.cmpi slt, %add3A_103, %lt3A : i32
      %convert_element_type3A = arith.extui %lt3A_104 : i1 to i32
      %cond3A = arith.constant 0 : i32
      %cond3A_105 = arith.cmpi ne, %convert_element_type3A, %cond3A : i32
      scf.if %cond3A_105 {
        %add3A_146 = arith.constant 2 : i32
        %add3A_147 = arith.addi %mul3A_65, %add3A_146 : i32
        %dma_start3A_148 = arith.constant 0 : i32
        %dma_start3A_149 = arith.constant 0 : i32
        %dma_start3A_150 = tpu.memref_slice %arg7[%dma_start3A_148, %dma_start3A_149] : memref<50x300xf32, #tpu.memory_space<vmem>> -> memref<50x128xf32, #tpu.memory_space<vmem>>
        %dma_start3A_151 = arith.constant 0 : i32
        %dma_start3A_152 = tpu.memref_slice %arg6[%add3A_147, %dma_start3A_151] : memref<128x50xi32, #tpu.memory_space<vmem>> -> memref<1x50xi32, #tpu.memory_space<vmem>>
        %dma_start3A_153 = tpu.memref_squeeze %dma_start3A_152 : memref<1x50xi32, #tpu.memory_space<vmem>> -> memref<50xi32, #tpu.memory_space<vmem>>
        %dma_start3A_154 = arith.constant 0 : i32
        %dma_start3A_155 = arith.constant 0 : i32
        %dma_start3A_156 = tpu.memref_slice %arg3[%dma_start3A_154, %dma_start3A_155] : memref<100000x300xf32, #tpu.memory_space<hbm>> -> memref<100000x128xf32, #tpu.memory_space<hbm>>
        tpu.enqueue_indirect_dma source(%dma_start3A_156 : memref<100000x128xf32, #tpu.memory_space<hbm>>) target(%dma_start3A_150 : memref<50x128xf32, #tpu.memory_space<vmem>>) offsets(%dma_start3A_153 : memref<50xi32, #tpu.memory_space<vmem>>) semaphore(%arg11 : memref<!tpu.dma_semaphore, #tpu.memory_space<semaphore_mem>>)
        %dma_start3A_157 = arith.constant 0 : i32
        %dma_start3A_158 = arith.constant 128 : i32
        %dma_start3A_159 = tpu.memref_slice %arg7[%dma_start3A_157, %dma_start3A_158] : memref<50x300xf32, #tpu.memory_space<vmem>> -> memref<50x128xf32, #tpu.memory_space<vmem>>
        %dma_start3A_160 = arith.constant 0 : i32
        %dma_start3A_161 = tpu.memref_slice %arg6[%add3A_147, %dma_start3A_160] : memref<128x50xi32, #tpu.memory_space<vmem>> -> memref<1x50xi32, #tpu.memory_space<vmem>>
        %dma_start3A_162 = tpu.memref_squeeze %dma_start3A_161 : memref<1x50xi32, #tpu.memory_space<vmem>> -> memref<50xi32, #tpu.memory_space<vmem>>
        %dma_start3A_163 = arith.constant 0 : i32
        %dma_start3A_164 = arith.constant 128 : i32
        %dma_start3A_165 = tpu.memref_slice %arg3[%dma_start3A_163, %dma_start3A_164] : memref<100000x300xf32, #tpu.memory_space<hbm>> -> memref<100000x128xf32, #tpu.memory_space<hbm>>
        tpu.enqueue_indirect_dma source(%dma_start3A_165 : memref<100000x128xf32, #tpu.memory_space<hbm>>) target(%dma_start3A_159 : memref<50x128xf32, #tpu.memory_space<vmem>>) offsets(%dma_start3A_162 : memref<50xi32, #tpu.memory_space<vmem>>) semaphore(%arg11 : memref<!tpu.dma_semaphore, #tpu.memory_space<semaphore_mem>>)
        %dma_start3A_166 = arith.constant 0 : i32
        %dma_start3A_167 = tpu.memref_slice %arg6[%add3A_147, %dma_start3A_166] : memref<128x50xi32, #tpu.memory_space<vmem>> -> memref<1x50xi32, #tpu.memory_space<vmem>>
        %dma_start3A_168 = tpu.memref_squeeze %dma_start3A_167 : memref<1x50xi32, #tpu.memory_space<vmem>> -> memref<50xi32, #tpu.memory_space<vmem>>
        %dma_start3A_169 = arith.constant 0 : i32
        %dma_start3A_170 = arith.constant 0 : i32
        %dma_start3A_171 = tpu.memref_slice %arg4[%dma_start3A_169, %dma_start3A_170] : memref<100000x128xf32, #tpu.memory_space<hbm>> -> memref<100000x128xf32, #tpu.memory_space<hbm>>
        tpu.enqueue_indirect_dma source(%dma_start3A_171 : memref<100000x128xf32, #tpu.memory_space<hbm>>) target(%arg9 : memref<50x128xf32, #tpu.memory_space<vmem>>) offsets(%dma_start3A_168 : memref<50xi32, #tpu.memory_space<vmem>>) semaphore(%arg11 : memref<!tpu.dma_semaphore, #tpu.memory_space<semaphore_mem>>)
      } else {
      }
      %dma_wait3A_106 = arith.constant 0 : i32
      %dma_wait3A_107 = arith.constant 0 : i32
      %dma_wait3A_108 = arith.constant 0 : i32
      %dma_wait3A_109 = tpu.memref_slice %arg8[%dma_wait3A_107, %dma_wait3A_108] : memref<50x300xf32, #tpu.memory_space<vmem>> -> memref<50x128xf32, #tpu.memory_space<vmem>>
      %dma_wait3A_110 = arith.constant 0 : i32
      %dma_wait3A_111 = tpu.memref_slice %arg6[%dma_wait3A_106, %dma_wait3A_110] : memref<128x50xi32, #tpu.memory_space<vmem>> -> memref<1x50xi32, #tpu.memory_space<vmem>>
      %dma_wait3A_112 = tpu.memref_squeeze %dma_wait3A_111 : memref<1x50xi32, #tpu.memory_space<vmem>> -> memref<50xi32, #tpu.memory_space<vmem>>
      %dma_wait3A_113 = arith.constant 0 : i32
      %dma_wait3A_114 = arith.constant 0 : i32
      %dma_wait3A_115 = tpu.memref_slice %arg3[%dma_wait3A_113, %dma_wait3A_114] : memref<100000x300xf32, #tpu.memory_space<hbm>> -> memref<100000x128xf32, #tpu.memory_space<hbm>>
      tpu.wait_indirect_dma semaphore(%arg12 : memref<!tpu.dma_semaphore, #tpu.memory_space<semaphore_mem>>) src(%dma_wait3A_115 : memref<100000x128xf32, #tpu.memory_space<hbm>>) dst(%dma_wait3A_109 : memref<50x128xf32, #tpu.memory_space<vmem>>)
      %dma_wait3A_116 = arith.constant 0 : i32
      %dma_wait3A_117 = arith.constant 0 : i32
      %dma_wait3A_118 = arith.constant 128 : i32
      %dma_wait3A_119 = tpu.memref_slice %arg8[%dma_wait3A_117, %dma_wait3A_118] : memref<50x300xf32, #tpu.memory_space<vmem>> -> memref<50x128xf32, #tpu.memory_space<vmem>>
      %dma_wait3A_120 = arith.constant 0 : i32
      %dma_wait3A_121 = tpu.memref_slice %arg6[%dma_wait3A_116, %dma_wait3A_120] : memref<128x50xi32, #tpu.memory_space<vmem>> -> memref<1x50xi32, #tpu.memory_space<vmem>>
      %dma_wait3A_122 = tpu.memref_squeeze %dma_wait3A_121 : memref<1x50xi32, #tpu.memory_space<vmem>> -> memref<50xi32, #tpu.memory_space<vmem>>
      %dma_wait3A_123 = arith.constant 0 : i32
      %dma_wait3A_124 = arith.constant 128 : i32
      %dma_wait3A_125 = tpu.memref_slice %arg3[%dma_wait3A_123, %dma_wait3A_124] : memref<100000x300xf32, #tpu.memory_space<hbm>> -> memref<100000x128xf32, #tpu.memory_space<hbm>>
      tpu.wait_indirect_dma semaphore(%arg12 : memref<!tpu.dma_semaphore, #tpu.memory_space<semaphore_mem>>) src(%dma_wait3A_125 : memref<100000x128xf32, #tpu.memory_space<hbm>>) dst(%dma_wait3A_119 : memref<50x128xf32, #tpu.memory_space<vmem>>)
      %dma_wait3A_126 = arith.constant 0 : i32
      %dma_wait3A_127 = arith.constant 0 : i32
      %dma_wait3A_128 = tpu.memref_slice %arg6[%dma_wait3A_126, %dma_wait3A_127] : memref<128x50xi32, #tpu.memory_space<vmem>> -> memref<1x50xi32, #tpu.memory_space<vmem>>
      %dma_wait3A_129 = tpu.memref_squeeze %dma_wait3A_128 : memref<1x50xi32, #tpu.memory_space<vmem>> -> memref<50xi32, #tpu.memory_space<vmem>>
      %dma_wait3A_130 = arith.constant 0 : i32
      %dma_wait3A_131 = arith.constant 0 : i32
      %dma_wait3A_132 = tpu.memref_slice %arg4[%dma_wait3A_130, %dma_wait3A_131] : memref<100000x128xf32, #tpu.memory_space<hbm>> -> memref<100000x128xf32, #tpu.memory_space<hbm>>
      tpu.wait_indirect_dma semaphore(%arg12 : memref<!tpu.dma_semaphore, #tpu.memory_space<semaphore_mem>>) src(%dma_wait3A_132 : memref<100000x128xf32, #tpu.memory_space<hbm>>) dst(%arg10 : memref<50x128xf32, #tpu.memory_space<vmem>>)
      %scan3A_133 = arith.constant 0 : i32
      %scan3A_134 = arith.constant 50 : i32
      %scan3A_135 = arith.addi %scan3A_133, %scan3A_134 : i32
      %scan3A_136 = arith.constant 1 : i32
      scf.for %scan3A_146 = %scan3A_133 to %scan3A_135 step %scan3A_136  : i32 {
        %get3A = arith.index_cast %scan3A_146 : i32 to index
        %get3A_147 = arith.constant 84 : index
        %get3A_148 = tpu.vector_load %arg10[%get3A, %get3A_147] {strides = array<i32>} : memref<50x128xf32, #tpu.memory_space<vmem>>, vector<16xf32>,
        %swap3A = arith.index_cast %scan3A_146 : i32 to index
        %swap3A_149 = arith.constant 256 : index
        %swap3A_150 = tpu.vector_load %arg8[%swap3A, %swap3A_149] {strides = array<i32>} : memref<50x300xf32, #tpu.memory_space<vmem>>, vector<16xf32>,
        tpu.vector_store %arg8[%swap3A, %swap3A_149], %get3A_148 {strides = array<i32>} : memref<50x300xf32, #tpu.memory_space<vmem>>, vector<16xf32>,
        %get3A_151 = arith.index_cast %scan3A_146 : i32 to index
        %get3A_152 = arith.constant 100 : index
        %get3A_153 = tpu.vector_load %arg10[%get3A_151, %get3A_152] {strides = array<i32>} : memref<50x128xf32, #tpu.memory_space<vmem>>, vector<16xf32>,
        %swap3A_154 = arith.index_cast %scan3A_146 : i32 to index
        %swap3A_155 = arith.constant 272 : index
        %swap3A_156 = tpu.vector_load %arg8[%swap3A_154, %swap3A_155] {strides = array<i32>} : memref<50x300xf32, #tpu.memory_space<vmem>>, vector<16xf32>,
        tpu.vector_store %arg8[%swap3A_154, %swap3A_155], %get3A_153 {strides = array<i32>} : memref<50x300xf32, #tpu.memory_space<vmem>>, vector<16xf32>,
        %broadcast_in_dim3A = vector.broadcast %scan3A_146 : i32 to vector<16xi32>
        %get3A_157 = arith.index_cast %scan3A_146 : i32 to index
        %get3A_158 = arith.constant 112 : index
        %get3A_159 = tpu.vector_load %arg10[%get3A_157, %get3A_158] {strides = array<i32>} : memref<50x128xf32, #tpu.memory_space<vmem>>, vector<16xf32>,
        tpu.vector_store_idx %arg8[%broadcast_in_dim3A, %add3A_5], %get3A_159 : memref<50x300xf32, #tpu.memory_space<vmem>>[vector<16xi32>, vector<16xi32>], vector<16xf32>,
      }
      %scan3A_137 = arith.constant 50 : i32
      %add3A_138 = arith.addi %mul3A_2, %add3A_69 : i32
      "tpu.region"() ({
        %run_scoped3A = tpu.sem_alloc : memref<!tpu.dma_semaphore, #tpu.memory_space<semaphore_mem>>
        %dma_start3A_146 = arith.constant 0 : i32
        %dma_start3A_147 = arith.constant 0 : i32
        %dma_start3A_148 = tpu.memref_slice %arg5[%add3A_138, %dma_start3A_146, %dma_start3A_147] : memref<4096x50x300xf32, #tpu.memory_space<hbm>> -> memref<1x50x300xf32, #tpu.memory_space<hbm>>
        %dma_start3A_149 = tpu.memref_squeeze %dma_start3A_148 : memref<1x50x300xf32, #tpu.memory_space<hbm>> -> memref<50x300xf32, #tpu.memory_space<hbm>>
        %dma_start3A_150 = arith.constant 0 : i32
        %dma_start3A_151 = arith.constant 0 : i32
        %dma_start3A_152 = tpu.memref_slice %arg5[%add3A_138, %dma_start3A_150, %dma_start3A_151] : memref<4096x50x300xf32, #tpu.memory_space<hbm>> -> memref<1x50x300xf32, #tpu.memory_space<hbm>>
        %dma_start3A_153 = tpu.memref_squeeze %dma_start3A_152 : memref<1x50x300xf32, #tpu.memory_space<hbm>> -> memref<50x300xf32, #tpu.memory_space<hbm>>
        tpu.enqueue_dma source(%arg8 : memref<50x300xf32, #tpu.memory_space<vmem>>) target(%dma_start3A_153 : memref<50x300xf32, #tpu.memory_space<hbm>>) target_semaphore(%run_scoped3A : memref<!tpu.dma_semaphore, #tpu.memory_space<semaphore_mem>>)
        %dma_wait3A_154 = arith.constant 0 : i32
        %dma_wait3A_155 = arith.constant 0 : i32
        %dma_wait3A_156 = tpu.memref_slice %arg5[%add3A_138, %dma_wait3A_154, %dma_wait3A_155] : memref<4096x50x300xf32, #tpu.memory_space<hbm>> -> memref<1x50x300xf32, #tpu.memory_space<hbm>>
        %dma_wait3A_157 = tpu.memref_squeeze %dma_wait3A_156 : memref<1x50x300xf32, #tpu.memory_space<hbm>> -> memref<50x300xf32, #tpu.memory_space<hbm>>
        %dma_wait3A_158 = arith.constant 0 : i32
        %dma_wait3A_159 = arith.constant 0 : i32
        %dma_wait3A_160 = tpu.memref_slice %arg5[%add3A_138, %dma_wait3A_158, %dma_wait3A_159] : memref<4096x50x300xf32, #tpu.memory_space<hbm>> -> memref<1x50x300xf32, #tpu.memory_space<hbm>>
        %dma_wait3A_161 = tpu.memref_squeeze %dma_wait3A_160 : memref<1x50x300xf32, #tpu.memory_space<hbm>> -> memref<50x300xf32, #tpu.memory_space<hbm>>
        tpu.wait_dma2 semaphore(%run_scoped3A : memref<!tpu.dma_semaphore, #tpu.memory_space<semaphore_mem>>) src(%arg8 : memref<50x300xf32, #tpu.memory_space<vmem>>) dst(%dma_wait3A_161 : memref<50x300xf32, #tpu.memory_space<hbm>>)
        tpu.yield
      }) : () -> ()
      %add3A_139 = arith.constant 2 : i32
      %add3A_140 = arith.addi %add3A_69, %add3A_139 : i32
      %lt3A_141 = arith.constant 128 : i32
      %lt3A_142 = arith.cmpi slt, %add3A_140, %lt3A_141 : i32
      %convert_element_type3A_143 = arith.extui %lt3A_142 : i1 to i32
      %cond3A_144 = arith.constant 0 : i32
      %cond3A_145 = arith.cmpi ne, %convert_element_type3A_143, %cond3A_144 : i32
      scf.if %cond3A_145 {
        %add3A_146 = arith.constant 2 : i32
        %add3A_147 = arith.addi %add3A_69, %add3A_146 : i32
        %dma_start3A_148 = arith.constant 0 : i32
        %dma_start3A_149 = arith.constant 0 : i32
        %dma_start3A_150 = tpu.memref_slice %arg8[%dma_start3A_148, %dma_start3A_149] : memref<50x300xf32, #tpu.memory_space<vmem>> -> memref<50x128xf32, #tpu.memory_space<vmem>>
        %dma_start3A_151 = arith.constant 0 : i32
        %dma_start3A_152 = tpu.memref_slice %arg6[%add3A_147, %dma_start3A_151] : memref<128x50xi32, #tpu.memory_space<vmem>> -> memref<1x50xi32, #tpu.memory_space<vmem>>
        %dma_start3A_153 = tpu.memref_squeeze %dma_start3A_152 : memref<1x50xi32, #tpu.memory_space<vmem>> -> memref<50xi32, #tpu.memory_space<vmem>>
        %dma_start3A_154 = arith.constant 0 : i32
        %dma_start3A_155 = arith.constant 0 : i32
        %dma_start3A_156 = tpu.memref_slice %arg3[%dma_start3A_154, %dma_start3A_155] : memref<100000x300xf32, #tpu.memory_space<hbm>> -> memref<100000x128xf32, #tpu.memory_space<hbm>>
        tpu.enqueue_indirect_dma source(%dma_start3A_156 : memref<100000x128xf32, #tpu.memory_space<hbm>>) target(%dma_start3A_150 : memref<50x128xf32, #tpu.memory_space<vmem>>) offsets(%dma_start3A_153 : memref<50xi32, #tpu.memory_space<vmem>>) semaphore(%arg12 : memref<!tpu.dma_semaphore, #tpu.memory_space<semaphore_mem>>)
        %dma_start3A_157 = arith.constant 0 : i32
        %dma_start3A_158 = arith.constant 128 : i32
        %dma_start3A_159 = tpu.memref_slice %arg8[%dma_start3A_157, %dma_start3A_158] : memref<50x300xf32, #tpu.memory_space<vmem>> -> memref<50x128xf32, #tpu.memory_space<vmem>>
        %dma_start3A_160 = arith.constant 0 : i32
        %dma_start3A_161 = tpu.memref_slice %arg6[%add3A_147, %dma_start3A_160] : memref<128x50xi32, #tpu.memory_space<vmem>> -> memref<1x50xi32, #tpu.memory_space<vmem>>
        %dma_start3A_162 = tpu.memref_squeeze %dma_start3A_161 : memref<1x50xi32, #tpu.memory_space<vmem>> -> memref<50xi32, #tpu.memory_space<vmem>>
        %dma_start3A_163 = arith.constant 0 : i32
        %dma_start3A_164 = arith.constant 128 : i32
        %dma_start3A_165 = tpu.memref_slice %arg3[%dma_start3A_163, %dma_start3A_164] : memref<100000x300xf32, #tpu.memory_space<hbm>> -> memref<100000x128xf32, #tpu.memory_space<hbm>>
        tpu.enqueue_indirect_dma source(%dma_start3A_165 : memref<100000x128xf32, #tpu.memory_space<hbm>>) target(%dma_start3A_159 : memref<50x128xf32, #tpu.memory_space<vmem>>) offsets(%dma_start3A_162 : memref<50xi32, #tpu.memory_space<vmem>>) semaphore(%arg12 : memref<!tpu.dma_semaphore, #tpu.memory_space<semaphore_mem>>)
        %dma_start3A_166 = arith.constant 0 : i32
        %dma_start3A_167 = tpu.memref_slice %arg6[%add3A_147, %dma_start3A_166] : memref<128x50xi32, #tpu.memory_space<vmem>> -> memref<1x50xi32, #tpu.memory_space<vmem>>
        %dma_start3A_168 = tpu.memref_squeeze %dma_start3A_167 : memref<1x50xi32, #tpu.memory_space<vmem>> -> memref<50xi32, #tpu.memory_space<vmem>>
        %dma_start3A_169 = arith.constant 0 : i32
        %dma_start3A_170 = arith.constant 0 : i32
        %dma_start3A_171 = tpu.memref_slice %arg4[%dma_start3A_169, %dma_start3A_170] : memref<100000x128xf32, #tpu.memory_space<hbm>> -> memref<100000x128xf32, #tpu.memory_space<hbm>>
        tpu.enqueue_indirect_dma source(%dma_start3A_171 : memref<100000x128xf32, #tpu.memory_space<hbm>>) target(%arg10 : memref<50x128xf32, #tpu.memory_space<vmem>>) offsets(%dma_start3A_168 : memref<50xi32, #tpu.memory_space<vmem>>) semaphore(%arg12 : memref<!tpu.dma_semaphore, #tpu.memory_space<semaphore_mem>>)
      } else {
      }
    }
    %scan3A_62 = arith.constant 64 : i32
    return
  }
}

</mosaic_0001>

<sc_bundles>
// kernel: kernel.3.cloned.1.call-start
scs
__scs_entry_jumppad:
0x0: {  	(pc) =	sbr.rel $0x88, $3  }
0x1: {  	(tag) =	ssettag $0x0;
	lr =	simm.s32 $0x1  }
0x2: {  	[smem:$0x3F9F] =	sst lr;
	_ =	strace $0xD0000000  }
0x3: {  	_ = 	snop  }
0x4: {  	_ = 	snop  }
0x5: {  	_ = 	snop  }
0x6: {  	_ = 	snop  }
0x7: {  	_ = 	snop  }
__scs_overlays_trampoline_lowered:
0x8: {  	[smem:$0x3FAE] =	sst s0  }
0x9: {  	[smem:$0x3FAF] =	sst s1  }
0xa: {  	[smem:$0x3FB0] =	sst s2  }
0xb: {  	[smem:$0x3FB1] =	sst s3  }
0xc: {  	[smem:$0x3FB2] =	sst s4  }
0xd: {  	[smem:$0x3FB3] =	sst s5  }
0xe: {  	[smem:$0x3FB4] =	sst s6  }
0xf: {  	[smem:$0x3FB5] =	sst s7  }
0x10: {  	[smem:$0x3FB6] =	sst s8  }
0x11: {  	[smem:$0x3FB7] =	sst s9;
	s0 =	simm.s32 @!p0 $0x0  }
0x12: {  	s1 =	sld [smem:$0x3F9D];
	s0 =	simm.s32 @p0 $0x1  }
0x13: {  	[smem:$0x3FB8] =	sst s0;
	s0 =	simm.s32 @!p1 $0x0  }
0x14: {  	s2 =	sld [smem:$0x3F9C];
	s0 =	simm.s32 @p1 $0x1  }
0x15: {  	[smem:$0x3FB9] =	sst s0;
	s0 =	simm.s32 @!p2 $0x0  }
0x16: {  	s3 =	sld [smem:$0x3FDB];
	s0 =	simm.s32 @p2 $0x1  }
0x17: {  	s4 =	simm.s32 $0x1BF5;
	[smem:$0x3FBB] =	sst s0  }
0x18: {  	s0 =	sld [smem:$0x3F9E];
	_ =	swait.ge [sflag:s4], $0x0  }
0x19: {  	s7 =	sld [smem:$0x3F9F]  }
0x1a: {  	s8 =	sadd.s32 $0xFFFFE003, lr  }
0x1b: {  	s9 =	sadd.s32 $0xFFFFFEF7, lr;
	s5 =	simm.s32 $0xFFFFFFFF;
	p2 =	slt.u32 s8, $0xFFFFF086  }
0x1c: {  	p1 =	slt.u32 s9, $0xF7A;
	s5 =	simm.s32 @!p2 $0x0  }
0x1d: {  	s5 =	simm.s32 @p1 $0x1;
	p0 =	seq.s32 s7, s2  }
0x1e: {  	s7 =	smul.u32 @!p0 $0xF7A, s2;
	p2 =	seq.s32 @!p0 s5, $0x0  }
0x1f: {  	s9 =	smul.u32 $0xF7A, s1;
	s8 =	simm.s32 @!p0 $0x1BF5;
	p2 =	por !p2, p0  }
0x20: {  	[sflag:s8] =	ssyncset.s32 @!p0 $0xFFFFF086;
	s6 =	sadd.s32 @!p0 s3, s7;
	s7 =	simm.s32 @!p0 $0x108  }
0x21: {  	s3 =	sadd.s32 s3, s9;
	s6 =	sadd.s32 @!p0 $0x88, s6;
	s7 =	simm.s32 @p2 $0x1082  }
0x22: {  	[simem:s7], [sflag:s8] =	dma.local @!p0 [hbm:s6], $0xF7A  }
0x23: {  	s9 =	sor.u32 $0xD0000000, s2;
	s6 =	simm.s32 $0x108;
	_ =	swait.ge @!p0 [sflag:s8], $0x0  }
0x24: {  	s3 =	sadd.s32 $0x88, s3;
	s6 =	simm.s32 @!p1 $0x1082;
	[sflag:s4] =	ssyncset.s32 $0xFFFFF086  }
0x25: {  	[simem:s6], [sflag:s4] =	dma.local [hbm:s3], $0xF7A  }
0x26: {  	[smem:$0x3F9F] =	sst s1;
	(tag) =	ssettag s2;
	_ =	strace s9  }
0x27: {  	s1 =	sld [smem:$0x3FAF]  }
0x28: {  	s2 =	sld [smem:$0x3FB0]  }
0x29: {  	s4 =	sld [smem:$0x3FB2]  }
0x2a: {  	p0 =	seq.s32 s5, $0x0;
	s5 =	sld [smem:$0x3FB3]  }
0x2b: {  	s6 =	sld [smem:$0x3FB4]  }
0x2c: {  	s7 =	sld [smem:$0x3FB5]  }
0x2d: {  	s3 =	simm.s32 $0x108;
	s8 =	sld [smem:$0x3FB6]  }
0x2e: {  	s3 =	simm.s32 @!p0 $0x1082;
	s9 =	sld [smem:$0x3FB7]  }
0x2f: {  	lr =	sadd.s32 s0, s3;
	s0 =	sld [smem:$0x3FAE]  }
0x30: {  	s3 =	sld [smem:$0x3FB1]  }
0x31: {  	[smem:$0x3FBA] =	sst s10  }
0x32: {  	s10 =	sld [smem:$0x3FB8];
	_ =	sdelay $0x3  }
0x33: {  	p0 =	seq.s32 s10, $0x1;
	s10 =	sld [smem:$0x3FBA];
	_ =	sdelay $0x3  }
0x34: {  	[smem:$0x3FBA] =	sst s10  }
0x35: {  	s10 =	sld [smem:$0x3FB9];
	_ =	sdelay $0x3  }
0x36: {  	p1 =	seq.s32 s10, $0x1;
	s10 =	sld [smem:$0x3FBA];
	_ =	sdelay $0x3  }
0x37: {  	[smem:$0x3FBA] =	sst s10  }
0x38: {  	s10 =	sld [smem:$0x3FBB]  }
0x39: {  	_ = 	snop;
	(pc) =	sbr.ind lr, $3  }
0x3a: {  	_ = 	snop  }
0x3b: {  	_ = 	snop  }
0x3c: {  	p2 =	seq.s32 s10, $0x1;
	s10 =	sld [smem:$0x3FBA]  }
0x3d: {  	_ =	shalt  }
0x3e: {  	_ =	shalt  }
0x3f: {  	_ =	shalt  }
0x40: {  	_ =	shalt  }
0x41: {  	_ =	shalt  }
0x42: {  	_ =	shalt  }
0x43: {  	_ =	shalt  }
0x44: {  	_ =	shalt  }
0x45: {  	_ =	shalt  }
0x46: {  	_ =	shalt  }
0x47: {  	_ =	shalt  }
0x48: {  	_ =	shalt  }
0x49: {  	_ =	shalt  }
0x4a: {  	_ =	shalt  }
0x4b: {  	_ =	shalt  }
0x4c: {  	_ =	shalt  }
0x4d: {  	_ =	shalt  }
0x4e: {  	_ =	shalt  }
0x4f: {  	_ =	shalt  }
0x50: {  	_ =	shalt  }
0x51: {  	_ =	shalt  }
0x52: {  	_ =	shalt  }
0x53: {  	_ =	shalt  }
0x54: {  	_ =	shalt  }
0x55: {  	_ =	shalt  }
0x56: {  	_ =	shalt  }
0x57: {  	_ =	shalt  }
0x58: {  	_ =	shalt  }
0x59: {  	_ =	shalt  }
0x5a: {  	_ =	shalt  }
0x5b: {  	_ =	shalt  }
0x5c: {  	_ =	shalt  }
0x5d: {  	_ =	shalt  }
0x5e: {  	_ =	shalt  }
0x5f: {  	_ =	shalt  }
0x60: {  	_ =	shalt  }
0x61: {  	_ =	shalt  }
0x62: {  	_ =	shalt  }
0x63: {  	_ =	shalt  }
0x64: {  	_ =	shalt  }
0x65: {  	_ =	shalt  }
0x66: {  	_ =	shalt  }
0x67: {  	_ =	shalt  }
0x68: {  	_ =	shalt  }
0x69: {  	_ =	shalt  }
0x6a: {  	_ =	shalt  }
0x6b: {  	_ =	shalt  }
0x6c: {  	_ =	shalt  }
0x6d: {  	_ =	shalt  }
0x6e: {  	_ =	shalt  }
0x6f: {  	_ =	shalt  }
0x70: {  	_ =	shalt  }
0x71: {  	_ =	shalt  }
0x72: {  	_ =	shalt  }
0x73: {  	_ =	shalt  }
0x74: {  	_ =	shalt  }
0x75: {  	_ =	shalt  }
0x76: {  	_ =	shalt  }
0x77: {  	_ =	shalt  }
0x78: {  	_ =	shalt  }
0x79: {  	_ =	shalt  }
0x7a: {  	_ =	shalt  }
0x7b: {  	_ =	shalt  }
0x7c: {  	_ =	shalt  }
0x7d: {  	_ =	shalt  }
0x7e: {  	_ =	shalt  }
0x7f: {  	_ =	shalt  }
0x80: {  	_ =	shalt  }
0x81: {  	_ =	shalt  }
0x82: {  	_ =	shalt  }
0x83: {  	_ =	shalt  }
0x84: {  	_ =	shalt  }
0x85: {  	_ =	shalt  }
0x86: {  	_ =	shalt  }
0x87: {  	_ =	shalt  }
.Lfunc_end0:
.L_simem_size_0:
called_computation_lowered:
.L_overlay_start_0:
0x88: {  	s2 =	sld [smem:$0x3FD9]  }
0x89: {  	s3 =	sld [smem:$0x3FFE];
	_ =	sdelay $0x1  }
0x8a: {  	s1 =	srdreg.scid  }
0x8b: {  	s0 =	sand.u32 $0x1, s1  }
0x8c: {  	s17 =	sshll.u32 s0, $0xA;
	s2 =	sadd.s32 s3, s2  }
0x8d: {  	s2 =	sadd.s32 s2, s17  }
0x8e: {  	[smem:$0x3FC6] =	sst s2  }
0x8f: {  	_ = 	snop  }
0x90: {  	s2 =	sld [smem:$0x3FD0];
	(tm) =	ssettm $0x1  }
0x91: {  	s18 =	sld [smem:$0x3FFB];
	_ =	sdelay $0x3  }
0x92: {  	_ =	strace s18  }
0x93: {  	s3 =	sld [smem:$0x3FFC];
	_ =	sdelay $0x3  }
0x94: {  	_ =	strace s3  }
0x95: {  	s3 =	sld [smem:$0x3FFD];
	_ =	sdelay $0x3  }
0x96: {  	_ =	strace s3  }
0x97: {  	_ =	strace $0x8FFFFFFF  }
0x98: {  	s19 =	sld [smem:$0x3FDB];
	_ =	sdelay $0x1  }
0x99: {  	s4 =	simm.s32 $_scs_section_size  }
0x9a: {  	s5 =	simm.s32 $_size__tile_overlayer_lowered;
	s6 =	simm.s32 $_tile_overlayer_lowered  }
0x9b: {  	s22 =	simm.s32 $0x1BFF;
	s21 =	sshll.u32 s6, $0x1;
	s3 =	sadd.s32 s4, s19  }
0x9c: {  	s7 =	simm.s32 $0x0;
	s20 =	sshll.u32 s5, $0x1;
	s5 =	sadd.s32 s21, s3  }
0x9d: {  	[timem:s7], [sflag:s22] =	dma.local [hbm:s5], s20  }
0x9e: {  	_ =	swait.ge [sflag:s22], s20  }
0x9f: {  	s4 =	ssub.s32 $0x0, s20;
	[sflag:s22] =	ssyncset.done $0x0  }
0xa0: {  	[sflag:s22] =	ssyncadd.s32 s4;
	_ =	sdelay $0x1  }
0xa1: {  	s23 =	simm.s32 $0x1B8B  }
0xa2: {  	_ =	swait.ge [sflag:s23], $0x1  }
0xa3: {  	[sflag:s23] =	ssyncset.done $0x0  }
0xa4: {  	s25 =	simm.s32 $0x1B8E;
	s24 =	sld [smem:$0x3FFE];
	[sflag:s23] =	ssyncadd.s32 $0xFFFFFFFF  }
0xa5: {  	s26 =	simm.s32 $execute0_lowered;
	[smem:$0x3FD2] =	sst s25  }
0xa6: {  	s5 =	sshll.u32 s26, $0x1;
	_ =	strace $0x80000046;
	[dreg:$0x1] =	wrdreg $0xFFFFFFFF  }
0xa7: {  	s28 =	simm.s32 $_size_execute0_lowered;
	s3 =	sadd.s32 s3, s5;
	[dreg:$0x0] =	wrdreg $0x0  }
0xa8: {  	s5 =	sshll.u32 s28, $0x1;
	[dreg:$0x2] =	wrdreg s3  }
0xa9: {  	[dreg:$0x3] =	wrdreg s5  }
0xaa: {  	[dreg:$0x4] =	wrdreg $0xC0  }
0xab: {  	_ =	task [dreg:s7], $0x5FFFF  }
0xac: {  	[dreg:$0x1] =	wrdreg $0xFFFFFFFF  }
0xad: {  	[dreg:$0x0] =	wrdreg $0x60  }
0xae: {  	[dreg:$0x2] =	wrdreg s24  }
0xaf: {  	[dreg:$0x3] =	wrdreg s2  }
0xb0: {  	[dreg:$0x4] =	wrdreg $0x9  }
0xb1: {  	_ =	task.clear_ibuf [dreg:s7], $0x5FFFF;
	_ =	strace $0x90000046  }
0xb2: {  	s29 =	simm.s32 $0x9;
	_ =	strace $0x80000048  }
0xb3: {  	_ =	swait.ge [sflag:s29], $0x1  }
0xb4: {  	[sflag:s29] =	ssyncadd.s32 $0xFFFFFFFF  }
0xb5: {  	_ =	strace $0x90000048  }
0xb6: {  	_ =	sfence  }
0xb7: {  	s30 =	sld [smem:$0x0];
	_ =	sdelay $0x2  }
0xb8: {  	s31 =	sshll.u32 s1, $0xD;
	s1 =	sshrl.u32 s1, $0x2  }
0xb9: {  	s3 =	sand.u32 $0x4000, s31;
	s1 =	sadd.s32 s1, s30  }
0xba: {  	s0 =	sor.u32 s3, s0;
	s1 =	sshll.u32 s1, $0x11  }
0xbb: {  	s0 =	sor.u32 s1, s0  }
0xbc: {  	s0 =	sadd.s32 $0x8F2B, s0  }
0xbd: {  	[sflag:s0] =	ssyncadd.remote.s32 $0x1  }
0xbe: {  	_ =	sfence.sel $0xFFFF  }
0xbf: {  	[dreg:$0x0] =	wrdreg $0xFFFFFFFF;
	(pc) =	sbr.abs _section_cstart, $3  }
0xc0: {  	[dreg:$0x1] =	wrdreg $0xFFFFFFFF  }
0xc1: {  	_ =	task.clear_ibuf [dreg:s7], $0x2FFFF;
	_ =	strace $0x9FFFFFFF  }
0xc2: {  	(tm) =	ssettm $0x7FFFFFFF  }
0xc3: {  	_ =	shalt  }
tec
execute0_lowered:
.L_overlay_start_1:
0x0: {  	(tag) =	ssettag $0x1  }
0x1: {  	s0 =	srdreg.scid  }
0x2: {  	s1 =	rddreg [dreg:$0x0];
	s3 =	stileid.u32  }
0x3: {  	s2 =	rddreg [dreg:$0x1];
	s10 =	simm.s32 $0x3;
	s11 =	simm.s32 $0x4000  }
0x4: {  	s25 =	simm.s32 $0x32;
	s28 =	simm.s32 $0x9400;
	s9 =	simm.s32 $0x9800  }
0x5: {  	s12 =	simm.s32 $0xA400;
	s13 =	simm.s32 $0xB000;
	s14 =	simm.s32 $0xBC00  }
0x6: {  	s15 =	simm.s32 $0xC800;
	s16 =	simm.s32 $0xD400;
	s17 =	simm.s32 $0xE000  }
0x7: {  	s18 =	simm.s32 $0x10400;
	s19 =	simm.s32 $0x1;
	s20 =	simm.s32 $0x2  }
0x8: {  	s22 =	simm.s32 $0x0;
	s0 =	sand.u32 $0x1, s0;
	s4 =	sshll.u32 s3, $0x8  }
0x9: {  	s3 =	simm.s32 $0x0;
	s6 =	sadd.s32 $0x196E00, s1;
	s5 =	sshll.u32 s0, $0x7  }
0xa: {  	[smem:$0x7FF] =	sst s3;
	s0 =	ssub.s32 $0x2, s0;
	s4 =	sor.u32 s5, s4  }
.Ltmp0:
0xb: {  	_ =	strace $0x80000047;
	s8 =	sshrl.u32 s0, $0x1;
	(pc) =	sbr.rel .LBB2_1-.Ltmp0, $4  }
0xc: {  	s5 =	sshll.u32 s4, $0x4;
	s0 =	ssub.s32 s0, s8;
	s8 =	sadd.s32 $0x80, s2  }
0xd: {  	v3 =	vlaneseq.u32;
	vm0 =	vmmov $0xff;
	s7 =	sadd.s32 s5, s1;
	s5 =	sadd.s32 $0x10400, s1;
	s0 =	smax.u32 s0, $0x1  }
0xe: {  	vm1 =	vmmov $0x3;
	v1 =	vshrl.u32 v3, $0x3;
	v0 =	vand.u32 $0x7, v3;
	s1 =	simm.s32 $0xC400;
	s31 =	sadd.s32 $0x400, s7;
	[dreg:$0x4] =	wrdreg s0  }
0xf: {  	v2 =	vor.u32 $0x8, v3;
	v3 =	vadd.s32 $0x1C, v3;
	v1 =	vmul.u32 $0x8, v1;
	s0 =	simm.s32 $0xD000;
	s7 =	simm.s32 $0xDC00;
	[dreg:$0x3] =	wrdreg s31  }
.LBB2_10:
0x10: {  	s22 =	rddreg [dreg:$0x5]  }
0x11: {  	s21 =	rddreg [dreg:$0x4];
	s22 =	sadd.s32 $0x1, s22  }
0x12: {  	p0 =	sne.s32 s22, s21  }
.Ltmp1:
0x13: {  	_ = 	snop;
	(pc) =	sbr.rel @!p0 .LBB2_11-.Ltmp1, $1  }
0x14: {  	_ =	sdelay $0x3  }
.LBB2_1:
0x15: {  	[dreg:$0x5] =	wrdreg s22  }
0x16: {  	s21 =	rddreg [dreg:$0x3]  }
0x17: {  	[tilespmem:s3], [sflag:$0x3] =	stream.linear.gather [hbm4b:s21+s3], $0x4000, $0x38;
	[tilespmem:$0x12000] =	vst v63  }
0x18: {  	_ =	swait.ge [sflag:s10], $0x4000  }
0x19: {  	[sflag:s10] =	ssyncset.done $0x0  }
0x1a: {  	[sflag:s10] =	ssyncadd.s32 $0xFFFFC000  }
0x1b: {  	v4 =	vld [tilespmem:$0x0];
	_ =	sdelay $0x4  }
0x1c: {  	v5 =	vshrl.u32 v4, $0x3  }
0x1d: {  	v5 =	vmul.u32 $0x18, v5  }
0x1e: {  	v4 =	vand.u32 $0x7, v4  }
0x1f: {  	v4 =	vor.u32 v4, v5  }
0x20: {  	v5 =	vperm.xlane v4, v0;
	_ =	sdelay $0x1  }
0x21: {  	v4 =	vperm.xlane v4, v2;
	v5 =	vadd.s32 v1, v5;
	_ =	sdelay $0x1  }
0x22: {  	v4 =	vadd.s32 v1, v4;
	_ =	sdelay $0x2  }
0x23: {  	[tilespmem:s11], [sflag:$0x1] =	stream.indirect_vreg.gather [hbm4b:s2+s3], $0x80, v5, vm0, $0xb8;
	[tilespmem:$0x12000] =	vst v63  }
0x24: {  	s26 =	simm.s32 $0x4C00  }
0x25: {  	[tilespmem:s26], [sflag:$0x1] =	stream.indirect_vreg.gather [hbm4b:s2+s3], $0x80, v4, vm0, $0xb8;
	[tilespmem:$0x12000] =	vst v63  }
0x26: {  	v4 =	vld [tilespmem:$0x10];
	_ =	sdelay $0x4  }
0x27: {  	v5 =	vshrl.u32 v4, $0x3  }
0x28: {  	v5 =	vmul.u32 $0x18, v5  }
0x29: {  	v4 =	vand.u32 $0x7, v4  }
0x2a: {  	v4 =	vor.u32 v4, v5  }
0x2b: {  	v5 =	vperm.xlane v4, v0;
	_ =	sdelay $0x1  }
0x2c: {  	v4 =	vperm.xlane v4, v2;
	v5 =	vadd.s32 v1, v5;
	_ =	sdelay $0x1  }
0x2d: {  	v4 =	vadd.s32 v1, v4;
	_ =	sdelay $0x1  }
0x2e: {  	s29 =	simm.s32 $0x5800  }
0x2f: {  	[tilespmem:s29], [sflag:$0x1] =	stream.indirect_vreg.gather [hbm4b:s2+s3], $0x80, v5, vm0, $0xb8;
	[tilespmem:$0x12000] =	vst v63  }
0x30: {  	s30 =	simm.s32 $0x6400  }
0x31: {  	[tilespmem:s30], [sflag:$0x1] =	stream.indirect_vreg.gather [hbm4b:s2+s3], $0x80, v4, vm0, $0xb8;
	[tilespmem:$0x12000] =	vst v63  }
0x32: {  	v4 =	vld [tilespmem:$0x20];
	_ =	sdelay $0x4  }
0x33: {  	v5 =	vshrl.u32 v4, $0x3  }
0x34: {  	v5 =	vmul.u32 $0x18, v5  }
0x35: {  	v4 =	vand.u32 $0x7, v4  }
0x36: {  	v4 =	vor.u32 v4, v5  }
0x37: {  	v5 =	vperm.xlane v4, v0;
	_ =	sdelay $0x1  }
0x38: {  	v4 =	vperm.xlane v4, v2;
	v5 =	vadd.s32 v1, v5;
	_ =	sdelay $0x1  }
0x39: {  	v4 =	vadd.s32 v1, v4;
	_ =	sdelay $0x1  }
0x3a: {  	s31 =	simm.s32 $0x7000  }
0x3b: {  	[tilespmem:s31], [sflag:$0x1] =	stream.indirect_vreg.gather [hbm4b:s2+s3], $0x80, v5, vm0, $0xb8;
	[tilespmem:$0x12000] =	vst v63  }
0x3c: {  	s22 =	simm.s32 $0x7C00  }
0x3d: {  	[tilespmem:s22], [sflag:$0x1] =	stream.indirect_vreg.gather [hbm4b:s2+s3], $0x80, v4, vm0, $0xb8;
	[tilespmem:$0x12000] =	vst v63  }
0x3e: {  	v4 =	vld.msk [tilespmem:$0x30], $0x3;
	_ =	sdelay $0x4  }
0x3f: {  	v5 =	vshrl.u32 v4, $0x3  }
0x40: {  	v5 =	vmul.u32 $0x18, v5  }
0x41: {  	v4 =	vand.u32 $0x7, v4  }
0x42: {  	v4 =	vor.u32 v4, v5  }
0x43: {  	v4 =	vperm.xlane v4, v0;
	_ =	sdelay $0x1  }
0x44: {  	v4 =	vadd.s32 v1, v4;
	_ =	sdelay $0x3  }
0x45: {  	s23 =	simm.s32 $0x8800  }
0x46: {  	[tilespmem:s23], [sflag:$0x1] =	stream.indirect_vreg.gather [hbm4b:s2+s3], $0x80, v4, vm1, $0xb8;
	[tilespmem:$0x12000] =	vst v63  }
0x47: {  	v4 =	vld [tilespmem:$0x0];
	_ =	sdelay $0x4  }
0x48: {  	v5 =	vshrl.u32 v4, $0x3  }
0x49: {  	v5 =	vmul.u32 $0x18, v5  }
0x4a: {  	v4 =	vand.u32 $0x7, v4  }
0x4b: {  	v4 =	vor.u32 v4, v5  }
0x4c: {  	v5 =	vperm.xlane v4, v0;
	_ =	sdelay $0x1  }
0x4d: {  	v4 =	vperm.xlane v4, v2;
	v5 =	vadd.s32 v1, v5;
	_ =	sdelay $0x1  }
0x4e: {  	v4 =	vadd.s32 v1, v4;
	_ =	sdelay $0x1  }
0x4f: {  	s24 =	simm.s32 $0x4400  }
0x50: {  	[tilespmem:s24], [sflag:$0x1] =	stream.indirect_vreg.gather [hbm4b:s8+s3], $0x80, v5, vm0, $0xb8;
	[tilespmem:$0x12000] =	vst v63  }
0x51: {  	s26 =	simm.s32 $0x5000  }
0x52: {  	[tilespmem:s26], [sflag:$0x1] =	stream.indirect_vreg.gather [hbm4b:s8+s3], $0x80, v4, vm0, $0xb8;
	[tilespmem:$0x12000] =	vst v63  }
0x53: {  	v4 =	vld [tilespmem:$0x10];
	_ =	sdelay $0x4  }
0x54: {  	v5 =	vshrl.u32 v4, $0x3  }
0x55: {  	v5 =	vmul.u32 $0x18, v5  }
0x56: {  	v4 =	vand.u32 $0x7, v4  }
0x57: {  	v4 =	vor.u32 v4, v5  }
0x58: {  	v5 =	vperm.xlane v4, v0;
	_ =	sdelay $0x1  }
0x59: {  	v4 =	vperm.xlane v4, v2;
	v5 =	vadd.s32 v1, v5;
	_ =	sdelay $0x1  }
0x5a: {  	v4 =	vadd.s32 v1, v4;
	_ =	sdelay $0x1  }
0x5b: {  	s29 =	simm.s32 $0x5C00  }
0x5c: {  	[tilespmem:s29], [sflag:$0x1] =	stream.indirect_vreg.gather [hbm4b:s8+s3], $0x80, v5, vm0, $0xb8;
	[tilespmem:$0x12000] =	vst v63  }
0x5d: {  	s30 =	simm.s32 $0x6800  }
0x5e: {  	[tilespmem:s30], [sflag:$0x1] =	stream.indirect_vreg.gather [hbm4b:s8+s3], $0x80, v4, vm0, $0xb8;
	[tilespmem:$0x12000] =	vst v63  }
0x5f: {  	v4 =	vld [tilespmem:$0x20];
	_ =	sdelay $0x4  }
0x60: {  	v5 =	vshrl.u32 v4, $0x3  }
0x61: {  	v5 =	vmul.u32 $0x18, v5  }
0x62: {  	v4 =	vand.u32 $0x7, v4  }
0x63: {  	v4 =	vor.u32 v4, v5  }
0x64: {  	v5 =	vperm.xlane v4, v0;
	_ =	sdelay $0x1  }
0x65: {  	v4 =	vperm.xlane v4, v2;
	v5 =	vadd.s32 v1, v5;
	_ =	sdelay $0x1  }
0x66: {  	v4 =	vadd.s32 v1, v4;
	_ =	sdelay $0x1  }
0x67: {  	s31 =	simm.s32 $0x7400  }
0x68: {  	[tilespmem:s31], [sflag:$0x1] =	stream.indirect_vreg.gather [hbm4b:s8+s3], $0x80, v5, vm0, $0xb8;
	[tilespmem:$0x12000] =	vst v63  }
0x69: {  	s22 =	simm.s32 $0x8000  }
0x6a: {  	[tilespmem:s22], [sflag:$0x1] =	stream.indirect_vreg.gather [hbm4b:s8+s3], $0x80, v4, vm0, $0xb8;
	[tilespmem:$0x12000] =	vst v63  }
0x6b: {  	v4 =	vld.msk [tilespmem:$0x30], $0x3;
	_ =	sdelay $0x4  }
0x6c: {  	v5 =	vshrl.u32 v4, $0x3  }
0x6d: {  	v5 =	vmul.u32 $0x18, v5  }
0x6e: {  	v4 =	vand.u32 $0x7, v4  }
0x6f: {  	v4 =	vor.u32 v4, v5  }
0x70: {  	v4 =	vperm.xlane v4, v0;
	_ =	sdelay $0x1  }
0x71: {  	v4 =	vadd.s32 v1, v4;
	_ =	sdelay $0x3  }
0x72: {  	s23 =	simm.s32 $0x8C00  }
0x73: {  	[tilespmem:s23], [sflag:$0x1] =	stream.indirect_vreg.gather [hbm4b:s8+s3], $0x80, v4, vm1, $0xb8;
	[tilespmem:$0x12000] =	vst v63  }
0x74: {  	s24 =	simm.s32 $0xE800  }
0x75: {  	[tilespmem:s24], [sflag:$0x1] =	stream.indirect.gather [hbm4b:s5+s25], $0x80, s3, s25, $0xb8;
	[tilespmem:$0x12000] =	vst v63  }
0x76: {  	v4 =	vld [tilespmem:$0x80];
	_ =	sdelay $0x4  }
0x77: {  	v5 =	vshrl.u32 v4, $0x3  }
0x78: {  	v5 =	vmul.u32 $0x18, v5  }
0x79: {  	v4 =	vand.u32 $0x7, v4  }
0x7a: {  	v4 =	vor.u32 v4, v5  }
0x7b: {  	v5 =	vperm.xlane v4, v0;
	_ =	sdelay $0x1  }
0x7c: {  	v4 =	vperm.xlane v4, v2;
	v5 =	vadd.s32 v1, v5;
	_ =	sdelay $0x1  }
0x7d: {  	v4 =	vadd.s32 v1, v4;
	_ =	sdelay $0x2  }
0x7e: {  	[tilespmem:s28], [sflag:$0x2] =	stream.indirect_vreg.gather [hbm4b:s2+s3], $0x80, v5, vm0, $0xb8;
	[tilespmem:$0x12000] =	vst v63  }
0x7f: {  	s26 =	simm.s32 $0xA000  }
0x80: {  	[tilespmem:s26], [sflag:$0x2] =	stream.indirect_vreg.gather [hbm4b:s2+s3], $0x80, v4, vm0, $0xb8;
	[tilespmem:$0x12000] =	vst v63  }
0x81: {  	v4 =	vld [tilespmem:$0x90];
	_ =	sdelay $0x4  }
0x82: {  	v5 =	vshrl.u32 v4, $0x3  }
0x83: {  	v5 =	vmul.u32 $0x18, v5  }
0x84: {  	v4 =	vand.u32 $0x7, v4  }
0x85: {  	v4 =	vor.u32 v4, v5  }
0x86: {  	v5 =	vperm.xlane v4, v0;
	_ =	sdelay $0x1  }
0x87: {  	v4 =	vperm.xlane v4, v2;
	v5 =	vadd.s32 v1, v5;
	_ =	sdelay $0x1  }
0x88: {  	v4 =	vadd.s32 v1, v4;
	_ =	sdelay $0x1  }
0x89: {  	s29 =	simm.s32 $0xAC00  }
0x8a: {  	[tilespmem:s29], [sflag:$0x2] =	stream.indirect_vreg.gather [hbm4b:s2+s3], $0x80, v5, vm0, $0xb8;
	[tilespmem:$0x12000] =	vst v63  }
0x8b: {  	s30 =	simm.s32 $0xB800  }
0x8c: {  	[tilespmem:s30], [sflag:$0x2] =	stream.indirect_vreg.gather [hbm4b:s2+s3], $0x80, v4, vm0, $0xb8;
	[tilespmem:$0x12000] =	vst v63  }
0x8d: {  	v4 =	vld [tilespmem:$0xA0];
	_ =	sdelay $0x4  }
0x8e: {  	v5 =	vshrl.u32 v4, $0x3  }
0x8f: {  	v5 =	vmul.u32 $0x18, v5  }
0x90: {  	v4 =	vand.u32 $0x7, v4  }
0x91: {  	v4 =	vor.u32 v4, v5  }
0x92: {  	v5 =	vperm.xlane v4, v0;
	_ =	sdelay $0x1  }
0x93: {  	v4 =	vperm.xlane v4, v2;
	v5 =	vadd.s32 v1, v5;
	_ =	sdelay $0x1  }
0x94: {  	v4 =	vadd.s32 v1, v4;
	_ =	sdelay $0x2  }
0x95: {  	[tilespmem:s1], [sflag:$0x2] =	stream.indirect_vreg.gather [hbm4b:s2+s3], $0x80, v5, vm0, $0xb8;
	[tilespmem:$0x12000] =	vst v63  }
0x96: {  	_ = 	snop  }
0x97: {  	[tilespmem:s0], [sflag:$0x2] =	stream.indirect_vreg.gather [hbm4b:s2+s3], $0x80, v4, vm0, $0xb8;
	[tilespmem:$0x12000] =	vst v63  }
0x98: {  	v4 =	vld.msk [tilespmem:$0xB0], $0x3;
	_ =	sdelay $0x4  }
0x99: {  	v5 =	vshrl.u32 v4, $0x3  }
0x9a: {  	v5 =	vmul.u32 $0x18, v5  }
0x9b: {  	v4 =	vand.u32 $0x7, v4  }
0x9c: {  	v4 =	vor.u32 v4, v5  }
0x9d: {  	v4 =	vperm.xlane v4, v0;
	_ =	sdelay $0x1  }
0x9e: {  	v4 =	vadd.s32 v1, v4;
	_ =	sdelay $0x4  }
0x9f: {  	[tilespmem:s7], [sflag:$0x2] =	stream.indirect_vreg.gather [hbm4b:s2+s3], $0x80, v4, vm1, $0xb8;
	[tilespmem:$0x12000] =	vst v63  }
0xa0: {  	v4 =	vld [tilespmem:$0x80];
	_ =	sdelay $0x4  }
0xa1: {  	v5 =	vshrl.u32 v4, $0x3  }
0xa2: {  	v5 =	vmul.u32 $0x18, v5  }
0xa3: {  	v4 =	vand.u32 $0x7, v4  }
0xa4: {  	v4 =	vor.u32 v4, v5  }
0xa5: {  	v5 =	vperm.xlane v4, v0;
	_ =	sdelay $0x1  }
0xa6: {  	v4 =	vperm.xlane v4, v2;
	v5 =	vadd.s32 v1, v5;
	_ =	sdelay $0x1  }
0xa7: {  	v4 =	vadd.s32 v1, v4;
	_ =	sdelay $0x2  }
0xa8: {  	[tilespmem:s9], [sflag:$0x2] =	stream.indirect_vreg.gather [hbm4b:s8+s3], $0x80, v5, vm0, $0xb8;
	[tilespmem:$0x12000] =	vst v63  }
0xa9: {  	_ = 	snop  }
0xaa: {  	[tilespmem:s12], [sflag:$0x2] =	stream.indirect_vreg.gather [hbm4b:s8+s3], $0x80, v4, vm0, $0xb8;
	[tilespmem:$0x12000] =	vst v63  }
0xab: {  	v4 =	vld [tilespmem:$0x90];
	_ =	sdelay $0x4  }
0xac: {  	v5 =	vshrl.u32 v4, $0x3  }
0xad: {  	v5 =	vmul.u32 $0x18, v5  }
0xae: {  	v4 =	vand.u32 $0x7, v4  }
0xaf: {  	v4 =	vor.u32 v4, v5  }
0xb0: {  	v5 =	vperm.xlane v4, v0;
	_ =	sdelay $0x1  }
0xb1: {  	v4 =	vperm.xlane v4, v2;
	v5 =	vadd.s32 v1, v5;
	_ =	sdelay $0x1  }
0xb2: {  	v4 =	vadd.s32 v1, v4;
	_ =	sdelay $0x2  }
0xb3: {  	[tilespmem:s13], [sflag:$0x2] =	stream.indirect_vreg.gather [hbm4b:s8+s3], $0x80, v5, vm0, $0xb8;
	[tilespmem:$0x12000] =	vst v63  }
0xb4: {  	_ = 	snop  }
0xb5: {  	[tilespmem:s14], [sflag:$0x2] =	stream.indirect_vreg.gather [hbm4b:s8+s3], $0x80, v4, vm0, $0xb8;
	[tilespmem:$0x12000] =	vst v63  }
0xb6: {  	v4 =	vld [tilespmem:$0xA0];
	_ =	sdelay $0x4  }
0xb7: {  	v5 =	vshrl.u32 v4, $0x3  }
0xb8: {  	v5 =	vmul.u32 $0x18, v5  }
0xb9: {  	v4 =	vand.u32 $0x7, v4  }
0xba: {  	v4 =	vor.u32 v4, v5  }
0xbb: {  	v5 =	vperm.xlane v4, v0;
	_ =	sdelay $0x1  }
0xbc: {  	v4 =	vperm.xlane v4, v2;
	v5 =	vadd.s32 v1, v5;
	_ =	sdelay $0x1  }
0xbd: {  	v4 =	vadd.s32 v1, v4;
	_ =	sdelay $0x2  }
0xbe: {  	[tilespmem:s15], [sflag:$0x2] =	stream.indirect_vreg.gather [hbm4b:s8+s3], $0x80, v5, vm0, $0xb8;
	[tilespmem:$0x12000] =	vst v63  }
0xbf: {  	_ = 	snop  }
0xc0: {  	[tilespmem:s16], [sflag:$0x2] =	stream.indirect_vreg.gather [hbm4b:s8+s3], $0x80, v4, vm0, $0xb8;
	[tilespmem:$0x12000] =	vst v63  }
0xc1: {  	v4 =	vld.msk [tilespmem:$0xB0], $0x3;
	_ =	sdelay $0x4  }
0xc2: {  	v5 =	vshrl.u32 v4, $0x3  }
0xc3: {  	v5 =	vmul.u32 $0x18, v5  }
0xc4: {  	v4 =	vand.u32 $0x7, v4  }
0xc5: {  	v4 =	vor.u32 v4, v5  }
0xc6: {  	v4 =	vperm.xlane v4, v0;
	_ =	sdelay $0x1  }
0xc7: {  	v4 =	vadd.s32 v1, v4;
	_ =	sdelay $0x4  }
0xc8: {  	[tilespmem:s17], [sflag:$0x2] =	stream.indirect_vreg.gather [hbm4b:s8+s3], $0x80, v4, vm1, $0xb8;
	[tilespmem:$0x12000] =	vst v63  }
0xc9: {  	s21 =	simm.s32 $0x0;
	s31 =	simm.s32 $0x80  }
0xca: {  	[tilespmem:s18], [sflag:$0x2] =	stream.indirect.gather [hbm4b:s5+s25], $0x80, s31, s25, $0xb8;
	[tilespmem:$0x12000] =	vst v63  }
.LBB2_2:
0xcb: {  	_ =	swait.ge [sflag:s19], $0x1900  }
0xcc: {  	[sflag:s19] =	ssyncset.done $0x0  }
0xcd: {  	[sflag:s19] =	ssyncadd.s32 $0xFFFFE700  }
0xce: {  	_ =	swait.ge [sflag:s19], $0x1900  }
0xcf: {  	[sflag:s19] =	ssyncset.done $0x0  }
0xd0: {  	[sflag:s19] =	ssyncadd.s32 $0xFFFFE700  }
0xd1: {  	_ =	swait.ge [sflag:s19], $0x1900  }
0xd2: {  	[sflag:s19] =	ssyncset.done $0x0  }
0xd3: {  	s23 =	simm.s32 $0xE870;
	[sflag:s19] =	ssyncadd.s32 $0xFFFFE700  }
0xd4: {  	s22 =	simm.s32 $0x0;
	v4 =	vld [tilespmem:s23+$0xFFFFFFE4]  }
0xd5: {  	s24 =	smul.u32 $0x3000, s22  }
0xd6: {  	s22 =	simm.s32 $0x0  }
0xd7: {  	s26 =	sand.u32 $0x380, s22;
	s24 =	sshra.s32 s24, $0x2  }
0xd8: {  	s24 =	sor.u32 s26, s24  }
0xd9: {  	[tilespmem:s24+$0x4800] =	vst v4  }
0xda: {  	v5 =	vmov s22;
	v4 =	vld [tilespmem:s23+$0xFFFFFFF4]  }
0xdb: {  	v6 =	vshrl.u32 v5, $0x3  }
0xdc: {  	v5 =	vshll.u32 v5, $0x7;
	v6 =	vmul.u32 $0xC00, v6  }
0xdd: {  	v5 =	vand.u32 $0x380, v5  }
0xde: {  	v5 =	vor.u32 v5, v6  }
0xdf: {  	[tilespmem:s24+$0x4810] =	vst v4;
	v4 =	vor.u32 v3, v5  }
0xe0: {  	v5 =	vld [tilespmem:s23+$0x0];
	v4 =	vadd.s32 $0x800, v4;
	_ =	sdelay $0x4  }
0xe1: {  	s23 =	simm.s32 $0xE8F0;
	[tilespmem:v4+s11+$0x0] =	vst.idx.msk $0xffff, v5  }
0xe2: {  	s29 =	simm.s32 $0x0;
	s26 =	simm.s32 $0x2;
	s24 =	simm.s32 $0x1;
	v4 =	vld [tilespmem:s23+$0xFFFFFFE4]  }
.LBB2_3:
0xe3: {  	p0 =	sne.s32 s26, $0x31;
	s29 =	smul.u32 $0x3000, s29  }
0xe4: {  	s22 =	sadd.s32 $0x80, s22  }
0xe5: {  	s30 =	sand.u32 $0x380, s22;
	s29 =	sshra.s32 s29, $0x2  }
0xe6: {  	s29 =	sor.u32 s30, s29  }
0xe7: {  	[tilespmem:s29+$0x4800] =	vst v4  }
0xe8: {  	v5 =	vmov s24;
	s24 =	smov.u32 s26;
	v4 =	vld [tilespmem:s23+$0xFFFFFFF4]  }
0xe9: {  	v6 =	vshrl.u32 v5, $0x3  }
0xea: {  	v5 =	vshll.u32 v5, $0x7;
	v6 =	vmul.u32 $0xC00, v6  }
0xeb: {  	v5 =	vand.u32 $0x380, v5  }
0xec: {  	v5 =	vor.u32 v5, v6  }
0xed: {  	[tilespmem:s29+$0x4810] =	vst v4;
	v4 =	vor.u32 v3, v5  }
0xee: {  	v5 =	vld [tilespmem:s23+$0x0];
	v4 =	vadd.s32 $0x800, v4;
	_ =	sdelay $0x1  }
.Ltmp2:
0xef: {  	(pc) =	sbr.rel @p0 .LBB2_3-.Ltmp2, $3  }
0xf0: {  	_ =	sdelay $0x1  }
0xf1: {  	s23 =	sadd.s32 $0x80, s23;
	[tilespmem:v4+s11+$0x0] =	vst.idx.msk $0xffff, v5  }
0xf2: {  	s26 =	sadd.s32 $0x1, s26;
	s29 =	sshrl.u32 s24, $0x3;
	v4 =	vld [tilespmem:s23+$0xFFFFFFE4]  }
0xf3: {  	s26 =	smul.u32 $0x3000, s29  }
0xf4: {  	s22 =	sadd.s32 $0x80, s22  }
0xf5: {  	s22 =	sand.u32 $0x380, s22;
	s26 =	sshra.s32 s26, $0x2  }
0xf6: {  	s22 =	sor.u32 s22, s26  }
0xf7: {  	[tilespmem:s22+$0x4800] =	vst v4  }
0xf8: {  	v5 =	vmov s24;
	v4 =	vld [tilespmem:s23+$0xFFFFFFF4]  }
0xf9: {  	v6 =	vshrl.u32 v5, $0x3  }
0xfa: {  	v5 =	vshll.u32 v5, $0x7;
	v6 =	vmul.u32 $0xC00, v6  }
0xfb: {  	v5 =	vand.u32 $0x380, v5  }
0xfc: {  	v5 =	vor.u32 v5, v6  }
0xfd: {  	[tilespmem:s22+$0x4810] =	vst v4;
	v4 =	vor.u32 v3, v5  }
0xfe: {  	v5 =	vld [tilespmem:s23+$0x0];
	v4 =	vadd.s32 $0x800, v4  }
0xff: {  	s31 =	sshll.u32 s21, $0x1  }
0x100: {  	s22 =	sadd.s32 s4, s31  }
0x101: {  	s22 =	smul.u32 $0xA80, s22  }
0x102: {  	p0 =	seq.s32 s21, $0x3F  }
.Ltmp3:
0x103: {  	s22 =	sadd.s32 s6, s22;
	[tilespmem:v4+s11+$0x0] =	vst.idx.msk $0xffff, v5;
	(pc) =	sbr.rel @p0 .LBB2_6-.Ltmp3, $4  }
0x104: {  	[hbm4b:s22+s3] =	stream.linear.scatter [tilespmem:s11], [sflag:$0x3], $0x5400, $0x38;
	[tilespmem:$0x12000] =	vst v63  }
0x105: {  	_ =	swait.ge [sflag:s10], $0x5400  }
0x106: {  	[sflag:s10] =	ssyncset.done $0x0  }
0x107: {  	[sflag:s10] =	ssyncadd.s32 $0xFFFFAC00  }
0x108: {  	s22 =	sshll.u32 s21, $0x8  }
0x109: {  	s22 =	sand.u32 $0x3FFFFF00, s22  }
0x10a: {  	v4 =	vld [tilespmem:s22+$0x100];
	_ =	sdelay $0x4  }
0x10b: {  	v5 =	vshrl.u32 v4, $0x3  }
0x10c: {  	v5 =	vmul.u32 $0x18, v5  }
0x10d: {  	v4 =	vand.u32 $0x7, v4  }
0x10e: {  	v4 =	vor.u32 v4, v5  }
0x10f: {  	v5 =	vperm.xlane v4, v0;
	_ =	sdelay $0x1  }
0x110: {  	v4 =	vperm.xlane v4, v2;
	v5 =	vadd.s32 v1, v5;
	_ =	sdelay $0x1  }
0x111: {  	v4 =	vadd.s32 v1, v4;
	_ =	sdelay $0x2  }
0x112: {  	[tilespmem:s11], [sflag:$0x1] =	stream.indirect_vreg.gather [hbm4b:s2+s3], $0x80, v5, vm0, $0xb8;
	[tilespmem:$0x12000] =	vst v63  }
0x113: {  	s23 =	simm.s32 $0x4C00  }
0x114: {  	[tilespmem:s23], [sflag:$0x1] =	stream.indirect_vreg.gather [hbm4b:s2+s3], $0x80, v4, vm0, $0xb8;
	[tilespmem:$0x12000] =	vst v63  }
0x115: {  	v4 =	vld [tilespmem:s22+$0x110];
	_ =	sdelay $0x4  }
0x116: {  	v5 =	vshrl.u32 v4, $0x3  }
0x117: {  	v5 =	vmul.u32 $0x18, v5  }
0x118: {  	v4 =	vand.u32 $0x7, v4  }
0x119: {  	v4 =	vor.u32 v4, v5  }
0x11a: {  	v5 =	vperm.xlane v4, v0;
	_ =	sdelay $0x1  }
0x11b: {  	v4 =	vperm.xlane v4, v2;
	v5 =	vadd.s32 v1, v5;
	_ =	sdelay $0x1  }
0x11c: {  	v4 =	vadd.s32 v1, v4;
	_ =	sdelay $0x1  }
0x11d: {  	s29 =	simm.s32 $0x5800  }
0x11e: {  	[tilespmem:s29], [sflag:$0x1] =	stream.indirect_vreg.gather [hbm4b:s2+s3], $0x80, v5, vm0, $0xb8;
	[tilespmem:$0x12000] =	vst v63  }
0x11f: {  	s30 =	simm.s32 $0x6400  }
0x120: {  	[tilespmem:s30], [sflag:$0x1] =	stream.indirect_vreg.gather [hbm4b:s2+s3], $0x80, v4, vm0, $0xb8;
	[tilespmem:$0x12000] =	vst v63  }
0x121: {  	v4 =	vld [tilespmem:s22+$0x120];
	_ =	sdelay $0x4  }
0x122: {  	v5 =	vshrl.u32 v4, $0x3  }
0x123: {  	v5 =	vmul.u32 $0x18, v5  }
0x124: {  	v4 =	vand.u32 $0x7, v4  }
0x125: {  	v4 =	vor.u32 v4, v5  }
0x126: {  	v5 =	vperm.xlane v4, v0;
	_ =	sdelay $0x1  }
0x127: {  	v4 =	vperm.xlane v4, v2;
	v5 =	vadd.s32 v1, v5;
	_ =	sdelay $0x1  }
0x128: {  	v4 =	vadd.s32 v1, v4;
	_ =	sdelay $0x1  }
0x129: {  	s31 =	simm.s32 $0x7000  }
0x12a: {  	[tilespmem:s31], [sflag:$0x1] =	stream.indirect_vreg.gather [hbm4b:s2+s3], $0x80, v5, vm0, $0xb8;
	[tilespmem:$0x12000] =	vst v63  }
0x12b: {  	s24 =	simm.s32 $0x7C00  }
0x12c: {  	[tilespmem:s24], [sflag:$0x1] =	stream.indirect_vreg.gather [hbm4b:s2+s3], $0x80, v4, vm0, $0xb8;
	[tilespmem:$0x12000] =	vst v63  }
0x12d: {  	v4 =	vld.msk [tilespmem:s22+$0x130], $0x3;
	_ =	sdelay $0x4  }
0x12e: {  	v5 =	vshrl.u32 v4, $0x3  }
0x12f: {  	v5 =	vmul.u32 $0x18, v5  }
0x130: {  	v4 =	vand.u32 $0x7, v4  }
0x131: {  	v4 =	vor.u32 v4, v5  }
0x132: {  	v4 =	vperm.xlane v4, v0;
	_ =	sdelay $0x1  }
0x133: {  	v4 =	vadd.s32 v1, v4;
	_ =	sdelay $0x3  }
0x134: {  	s26 =	simm.s32 $0x8800  }
0x135: {  	[tilespmem:s26], [sflag:$0x1] =	stream.indirect_vreg.gather [hbm4b:s2+s3], $0x80, v4, vm1, $0xb8;
	[tilespmem:$0x12000] =	vst v63  }
0x136: {  	v4 =	vld [tilespmem:s22+$0x100];
	_ =	sdelay $0x4  }
0x137: {  	v5 =	vshrl.u32 v4, $0x3  }
0x138: {  	v5 =	vmul.u32 $0x18, v5  }
0x139: {  	v4 =	vand.u32 $0x7, v4  }
0x13a: {  	v4 =	vor.u32 v4, v5  }
0x13b: {  	v5 =	vperm.xlane v4, v0;
	_ =	sdelay $0x1  }
0x13c: {  	v4 =	vperm.xlane v4, v2;
	v5 =	vadd.s32 v1, v5;
	_ =	sdelay $0x1  }
0x13d: {  	v4 =	vadd.s32 v1, v4;
	_ =	sdelay $0x1  }
0x13e: {  	s29 =	simm.s32 $0x4400  }
0x13f: {  	[tilespmem:s29], [sflag:$0x1] =	stream.indirect_vreg.gather [hbm4b:s8+s3], $0x80, v5, vm0, $0xb8;
	[tilespmem:$0x12000] =	vst v63  }
0x140: {  	s30 =	simm.s32 $0x5000  }
0x141: {  	[tilespmem:s30], [sflag:$0x1] =	stream.indirect_vreg.gather [hbm4b:s8+s3], $0x80, v4, vm0, $0xb8;
	[tilespmem:$0x12000] =	vst v63  }
0x142: {  	v4 =	vld [tilespmem:s22+$0x110];
	_ =	sdelay $0x4  }
0x143: {  	v5 =	vshrl.u32 v4, $0x3  }
0x144: {  	v5 =	vmul.u32 $0x18, v5  }
0x145: {  	v4 =	vand.u32 $0x7, v4  }
0x146: {  	v4 =	vor.u32 v4, v5  }
0x147: {  	v5 =	vperm.xlane v4, v0;
	_ =	sdelay $0x1  }
0x148: {  	v4 =	vperm.xlane v4, v2;
	v5 =	vadd.s32 v1, v5;
	_ =	sdelay $0x1  }
0x149: {  	v4 =	vadd.s32 v1, v4;
	_ =	sdelay $0x1  }
0x14a: {  	s31 =	simm.s32 $0x5C00  }
0x14b: {  	[tilespmem:s31], [sflag:$0x1] =	stream.indirect_vreg.gather [hbm4b:s8+s3], $0x80, v5, vm0, $0xb8;
	[tilespmem:$0x12000] =	vst v63  }
0x14c: {  	s24 =	simm.s32 $0x6800  }
0x14d: {  	[tilespmem:s24], [sflag:$0x1] =	stream.indirect_vreg.gather [hbm4b:s8+s3], $0x80, v4, vm0, $0xb8;
	[tilespmem:$0x12000] =	vst v63  }
0x14e: {  	v4 =	vld [tilespmem:s22+$0x120];
	_ =	sdelay $0x4  }
0x14f: {  	v5 =	vshrl.u32 v4, $0x3  }
0x150: {  	v5 =	vmul.u32 $0x18, v5  }
0x151: {  	v4 =	vand.u32 $0x7, v4  }
0x152: {  	v4 =	vor.u32 v4, v5  }
0x153: {  	v5 =	vperm.xlane v4, v0;
	_ =	sdelay $0x1  }
0x154: {  	v4 =	vperm.xlane v4, v2;
	v5 =	vadd.s32 v1, v5;
	_ =	sdelay $0x1  }
0x155: {  	v4 =	vadd.s32 v1, v4;
	_ =	sdelay $0x1  }
0x156: {  	s26 =	simm.s32 $0x7400  }
0x157: {  	[tilespmem:s26], [sflag:$0x1] =	stream.indirect_vreg.gather [hbm4b:s8+s3], $0x80, v5, vm0, $0xb8;
	[tilespmem:$0x12000] =	vst v63  }
0x158: {  	s29 =	simm.s32 $0x8000  }
0x159: {  	[tilespmem:s29], [sflag:$0x1] =	stream.indirect_vreg.gather [hbm4b:s8+s3], $0x80, v4, vm0, $0xb8;
	[tilespmem:$0x12000] =	vst v63  }
0x15a: {  	v4 =	vld.msk [tilespmem:s22+$0x130], $0x3;
	_ =	sdelay $0x4  }
0x15b: {  	v5 =	vshrl.u32 v4, $0x3  }
0x15c: {  	v5 =	vmul.u32 $0x18, v5  }
0x15d: {  	v4 =	vand.u32 $0x7, v4  }
0x15e: {  	v4 =	vor.u32 v4, v5  }
0x15f: {  	v4 =	vperm.xlane v4, v0;
	_ =	sdelay $0x1  }
0x160: {  	v4 =	vadd.s32 v1, v4;
	_ =	sdelay $0x3  }
0x161: {  	s30 =	simm.s32 $0x8C00  }
0x162: {  	[tilespmem:s30], [sflag:$0x1] =	stream.indirect_vreg.gather [hbm4b:s8+s3], $0x80, v4, vm1, $0xb8;
	[tilespmem:$0x12000] =	vst v63  }
0x163: {  	s31 =	simm.s32 $0xE800;
	s22 =	sadd.s32 $0x100, s22  }
0x164: {  	[tilespmem:s31], [sflag:$0x1] =	stream.indirect.gather [hbm4b:s5+s25], $0x80, s22, s25, $0xb8;
	[tilespmem:$0x12000] =	vst v63  }
.LBB2_6:
0x165: {  	_ =	swait.ge [sflag:s20], $0x1900  }
0x166: {  	[sflag:s20] =	ssyncset.done $0x0  }
0x167: {  	[sflag:s20] =	ssyncadd.s32 $0xFFFFE700  }
0x168: {  	_ =	swait.ge [sflag:s20], $0x1900  }
0x169: {  	[sflag:s20] =	ssyncset.done $0x0  }
0x16a: {  	[sflag:s20] =	ssyncadd.s32 $0xFFFFE700  }
0x16b: {  	_ =	swait.ge [sflag:s20], $0x1900  }
0x16c: {  	[sflag:s20] =	ssyncset.done $0x0  }
0x16d: {  	s22 =	simm.s32 $0x10470;
	[sflag:s20] =	ssyncadd.s32 $0xFFFFE700  }
0x16e: {  	s23 =	simm.s32 $0x0;
	v4 =	vld [tilespmem:s22+$0xFFFFFFE4]  }
0x16f: {  	s24 =	smul.u32 $0x3000, s23  }
0x170: {  	s23 =	simm.s32 $0x0  }
0x171: {  	s26 =	sand.u32 $0x380, s23;
	s24 =	sshra.s32 s24, $0x2  }
0x172: {  	s24 =	sor.u32 s26, s24  }
0x173: {  	[tilespmem:s24+$0x9C00] =	vst v4  }
0x174: {  	v5 =	vmov s23;
	v4 =	vld [tilespmem:s22+$0xFFFFFFF4]  }
0x175: {  	v6 =	vshrl.u32 v5, $0x3  }
0x176: {  	v5 =	vshll.u32 v5, $0x7;
	v6 =	vmul.u32 $0xC00, v6  }
0x177: {  	v5 =	vand.u32 $0x380, v5  }
0x178: {  	v5 =	vor.u32 v5, v6  }
0x179: {  	[tilespmem:s24+$0x9C10] =	vst v4;
	v4 =	vor.u32 v3, v5  }
0x17a: {  	v5 =	vld [tilespmem:s22+$0x0];
	v4 =	vadd.s32 $0x800, v4;
	_ =	sdelay $0x4  }
0x17b: {  	s30 =	simm.s32 $0x0;
	s24 =	simm.s32 $0x104F0;
	[tilespmem:v4+s28+$0x0] =	vst.idx.msk $0xffff, v5  }
0x17c: {  	s29 =	simm.s32 $0x2;
	s26 =	simm.s32 $0x1;
	s22 =	sshllo.u32 s21, $0x1;
	v4 =	vld [tilespmem:s24+$0xFFFFFFE4]  }
.LBB2_7:
0x17d: {  	p1 =	sne.s32 s29, $0x31;
	s30 =	smul.u32 $0x3000, s30  }
0x17e: {  	s23 =	sadd.s32 $0x80, s23  }
0x17f: {  	s31 =	sand.u32 $0x380, s23;
	s30 =	sshra.s32 s30, $0x2  }
0x180: {  	s30 =	sor.u32 s31, s30  }
0x181: {  	[tilespmem:s30+$0x9C00] =	vst v4  }
0x182: {  	v5 =	vmov s26;
	s26 =	smov.u32 s29;
	v4 =	vld [tilespmem:s24+$0xFFFFFFF4]  }
0x183: {  	v6 =	vshrl.u32 v5, $0x3  }
0x184: {  	v5 =	vshll.u32 v5, $0x7;
	v6 =	vmul.u32 $0xC00, v6  }
0x185: {  	v5 =	vand.u32 $0x380, v5  }
0x186: {  	v5 =	vor.u32 v5, v6  }
0x187: {  	[tilespmem:s30+$0x9C10] =	vst v4;
	v4 =	vor.u32 v3, v5  }
0x188: {  	v5 =	vld [tilespmem:s24+$0x0];
	v4 =	vadd.s32 $0x800, v4;
	_ =	sdelay $0x1  }
.Ltmp4:
0x189: {  	(pc) =	sbr.rel @p1 .LBB2_7-.Ltmp4, $3  }
0x18a: {  	_ =	sdelay $0x1  }
0x18b: {  	s24 =	sadd.s32 $0x80, s24;
	[tilespmem:v4+s28+$0x0] =	vst.idx.msk $0xffff, v5  }
0x18c: {  	s29 =	sadd.s32 $0x1, s29;
	s30 =	sshrl.u32 s26, $0x3;
	v4 =	vld [tilespmem:s24+$0xFFFFFFE4]  }
0x18d: {  	s29 =	smul.u32 $0x3000, s30  }
0x18e: {  	s23 =	sadd.s32 $0x80, s23  }
0x18f: {  	s23 =	sand.u32 $0x380, s23;
	s29 =	sshra.s32 s29, $0x2  }
0x190: {  	s23 =	sor.u32 s23, s29  }
0x191: {  	[tilespmem:s23+$0x9C00] =	vst v4  }
0x192: {  	v5 =	vmov s26;
	v4 =	vld [tilespmem:s24+$0xFFFFFFF4]  }
0x193: {  	v6 =	vshrl.u32 v5, $0x3  }
0x194: {  	v5 =	vshll.u32 v5, $0x7;
	v6 =	vmul.u32 $0xC00, v6  }
0x195: {  	v5 =	vand.u32 $0x380, v5  }
0x196: {  	v5 =	vor.u32 v5, v6  }
0x197: {  	[tilespmem:s23+$0x9C10] =	vst v4;
	v4 =	vor.u32 v3, v5  }
0x198: {  	v5 =	vld [tilespmem:s24+$0x0];
	v4 =	vadd.s32 $0x800, v4;
	_ =	sdelay $0x1  }
0x199: {  	s22 =	sadd.s32 s4, s22  }
0x19a: {  	s22 =	smul.u32 $0xA80, s22;
	_ =	sdelay $0x1  }
.Ltmp5:
0x19b: {  	s22 =	sadd.s32 s6, s22;
	[tilespmem:v4+s28+$0x0] =	vst.idx.msk $0xffff, v5;
	(pc) =	sbr.rel @p0 .LBB2_10-.Ltmp5, $4  }
0x19c: {  	[hbm4b:s22+s3] =	stream.linear.scatter [tilespmem:s28], [sflag:$0x3], $0x5400, $0x38;
	[tilespmem:$0x12000] =	vst v63  }
0x19d: {  	_ =	swait.ge [sflag:s10], $0x5400  }
0x19e: {  	[sflag:s10] =	ssyncset.done $0x0  }
0x19f: {  	[sflag:s10] =	ssyncadd.s32 $0xFFFFAC00  }
0x1a0: {  	s22 =	sshll.u32 s21, $0x8  }
0x1a1: {  	s22 =	sand.u32 $0x3FFFFF00, s22  }
0x1a2: {  	v4 =	vld [tilespmem:s22+$0x180];
	_ =	sdelay $0x4  }
0x1a3: {  	v5 =	vshrl.u32 v4, $0x3  }
0x1a4: {  	v5 =	vmul.u32 $0x18, v5  }
0x1a5: {  	v4 =	vand.u32 $0x7, v4  }
0x1a6: {  	v4 =	vor.u32 v4, v5  }
0x1a7: {  	v5 =	vperm.xlane v4, v0;
	_ =	sdelay $0x1  }
0x1a8: {  	v4 =	vperm.xlane v4, v2;
	v5 =	vadd.s32 v1, v5;
	_ =	sdelay $0x1  }
0x1a9: {  	v4 =	vadd.s32 v1, v4;
	_ =	sdelay $0x2  }
0x1aa: {  	[tilespmem:s28], [sflag:$0x2] =	stream.indirect_vreg.gather [hbm4b:s2+s3], $0x80, v5, vm0, $0xb8;
	[tilespmem:$0x12000] =	vst v63  }
0x1ab: {  	s23 =	simm.s32 $0xA000  }
0x1ac: {  	[tilespmem:s23], [sflag:$0x2] =	stream.indirect_vreg.gather [hbm4b:s2+s3], $0x80, v4, vm0, $0xb8;
	[tilespmem:$0x12000] =	vst v63  }
0x1ad: {  	v4 =	vld [tilespmem:s22+$0x190];
	_ =	sdelay $0x4  }
0x1ae: {  	v5 =	vshrl.u32 v4, $0x3  }
0x1af: {  	v5 =	vmul.u32 $0x18, v5  }
0x1b0: {  	v4 =	vand.u32 $0x7, v4  }
0x1b1: {  	v4 =	vor.u32 v4, v5  }
0x1b2: {  	v5 =	vperm.xlane v4, v0;
	_ =	sdelay $0x1  }
0x1b3: {  	v4 =	vperm.xlane v4, v2;
	v5 =	vadd.s32 v1, v5;
	_ =	sdelay $0x1  }
0x1b4: {  	v4 =	vadd.s32 v1, v4;
	_ =	sdelay $0x1  }
0x1b5: {  	s30 =	simm.s32 $0xAC00  }
0x1b6: {  	[tilespmem:s30], [sflag:$0x2] =	stream.indirect_vreg.gather [hbm4b:s2+s3], $0x80, v5, vm0, $0xb8;
	[tilespmem:$0x12000] =	vst v63  }
0x1b7: {  	s31 =	simm.s32 $0xB800  }
0x1b8: {  	[tilespmem:s31], [sflag:$0x2] =	stream.indirect_vreg.gather [hbm4b:s2+s3], $0x80, v4, vm0, $0xb8;
	[tilespmem:$0x12000] =	vst v63  }
0x1b9: {  	v4 =	vld [tilespmem:s22+$0x1A0];
	_ =	sdelay $0x4  }
0x1ba: {  	v5 =	vshrl.u32 v4, $0x3  }
0x1bb: {  	v5 =	vmul.u32 $0x18, v5  }
0x1bc: {  	v4 =	vand.u32 $0x7, v4  }
0x1bd: {  	v4 =	vor.u32 v4, v5  }
0x1be: {  	v5 =	vperm.xlane v4, v0;
	_ =	sdelay $0x1  }
0x1bf: {  	v4 =	vperm.xlane v4, v2;
	v5 =	vadd.s32 v1, v5;
	_ =	sdelay $0x1  }
0x1c0: {  	v4 =	vadd.s32 v1, v4;
	_ =	sdelay $0x2  }
0x1c1: {  	[tilespmem:s1], [sflag:$0x2] =	stream.indirect_vreg.gather [hbm4b:s2+s3], $0x80, v5, vm0, $0xb8;
	[tilespmem:$0x12000] =	vst v63  }
0x1c2: {  	_ = 	snop  }
0x1c3: {  	[tilespmem:s0], [sflag:$0x2] =	stream.indirect_vreg.gather [hbm4b:s2+s3], $0x80, v4, vm0, $0xb8;
	[tilespmem:$0x12000] =	vst v63  }
0x1c4: {  	v4 =	vld.msk [tilespmem:s22+$0x1B0], $0x3;
	_ =	sdelay $0x4  }
0x1c5: {  	v5 =	vshrl.u32 v4, $0x3  }
0x1c6: {  	v5 =	vmul.u32 $0x18, v5  }
0x1c7: {  	v4 =	vand.u32 $0x7, v4  }
0x1c8: {  	v4 =	vor.u32 v4, v5  }
0x1c9: {  	v4 =	vperm.xlane v4, v0;
	_ =	sdelay $0x1  }
0x1ca: {  	v4 =	vadd.s32 v1, v4;
	_ =	sdelay $0x4  }
0x1cb: {  	[tilespmem:s7], [sflag:$0x2] =	stream.indirect_vreg.gather [hbm4b:s2+s3], $0x80, v4, vm1, $0xb8;
	[tilespmem:$0x12000] =	vst v63  }
0x1cc: {  	v4 =	vld [tilespmem:s22+$0x180];
	_ =	sdelay $0x4  }
0x1cd: {  	v5 =	vshrl.u32 v4, $0x3  }
0x1ce: {  	v5 =	vmul.u32 $0x18, v5  }
0x1cf: {  	v4 =	vand.u32 $0x7, v4  }
0x1d0: {  	v4 =	vor.u32 v4, v5  }
0x1d1: {  	v5 =	vperm.xlane v4, v0;
	_ =	sdelay $0x1  }
0x1d2: {  	v4 =	vperm.xlane v4, v2;
	v5 =	vadd.s32 v1, v5;
	_ =	sdelay $0x1  }
0x1d3: {  	v4 =	vadd.s32 v1, v4;
	_ =	sdelay $0x2  }
0x1d4: {  	[tilespmem:s9], [sflag:$0x2] =	stream.indirect_vreg.gather [hbm4b:s8+s3], $0x80, v5, vm0, $0xb8;
	[tilespmem:$0x12000] =	vst v63  }
0x1d5: {  	_ = 	snop  }
0x1d6: {  	[tilespmem:s12], [sflag:$0x2] =	stream.indirect_vreg.gather [hbm4b:s8+s3], $0x80, v4, vm0, $0xb8;
	[tilespmem:$0x12000] =	vst v63  }
0x1d7: {  	v4 =	vld [tilespmem:s22+$0x190];
	_ =	sdelay $0x4  }
0x1d8: {  	v5 =	vshrl.u32 v4, $0x3  }
0x1d9: {  	v5 =	vmul.u32 $0x18, v5  }
0x1da: {  	v4 =	vand.u32 $0x7, v4  }
0x1db: {  	v4 =	vor.u32 v4, v5  }
0x1dc: {  	v5 =	vperm.xlane v4, v0;
	_ =	sdelay $0x1  }
0x1dd: {  	v4 =	vperm.xlane v4, v2;
	v5 =	vadd.s32 v1, v5;
	_ =	sdelay $0x1  }
0x1de: {  	v4 =	vadd.s32 v1, v4;
	_ =	sdelay $0x2  }
0x1df: {  	[tilespmem:s13], [sflag:$0x2] =	stream.indirect_vreg.gather [hbm4b:s8+s3], $0x80, v5, vm0, $0xb8;
	[tilespmem:$0x12000] =	vst v63  }
0x1e0: {  	_ = 	snop  }
0x1e1: {  	[tilespmem:s14], [sflag:$0x2] =	stream.indirect_vreg.gather [hbm4b:s8+s3], $0x80, v4, vm0, $0xb8;
	[tilespmem:$0x12000] =	vst v63  }
0x1e2: {  	v4 =	vld [tilespmem:s22+$0x1A0];
	_ =	sdelay $0x4  }
0x1e3: {  	v5 =	vshrl.u32 v4, $0x3  }
0x1e4: {  	v5 =	vmul.u32 $0x18, v5  }
0x1e5: {  	v4 =	vand.u32 $0x7, v4  }
0x1e6: {  	v4 =	vor.u32 v4, v5  }
0x1e7: {  	v5 =	vperm.xlane v4, v0;
	_ =	sdelay $0x1  }
0x1e8: {  	v4 =	vperm.xlane v4, v2;
	v5 =	vadd.s32 v1, v5;
	_ =	sdelay $0x1  }
0x1e9: {  	v4 =	vadd.s32 v1, v4;
	_ =	sdelay $0x2  }
0x1ea: {  	[tilespmem:s15], [sflag:$0x2] =	stream.indirect_vreg.gather [hbm4b:s8+s3], $0x80, v5, vm0, $0xb8;
	[tilespmem:$0x12000] =	vst v63  }
0x1eb: {  	_ = 	snop  }
0x1ec: {  	[tilespmem:s16], [sflag:$0x2] =	stream.indirect_vreg.gather [hbm4b:s8+s3], $0x80, v4, vm0, $0xb8;
	[tilespmem:$0x12000] =	vst v63  }
0x1ed: {  	v4 =	vld.msk [tilespmem:s22+$0x1B0], $0x3;
	_ =	sdelay $0x4  }
0x1ee: {  	v5 =	vshrl.u32 v4, $0x3  }
0x1ef: {  	v5 =	vmul.u32 $0x18, v5  }
0x1f0: {  	v4 =	vand.u32 $0x7, v4  }
0x1f1: {  	v4 =	vor.u32 v4, v5  }
0x1f2: {  	v4 =	vperm.xlane v4, v0;
	_ =	sdelay $0x1  }
0x1f3: {  	v4 =	vadd.s32 v1, v4;
	_ =	sdelay $0x2  }
.Ltmp6:
0x1f4: {  	_ = 	snop;
	(pc) =	sbr.rel .LBB2_2-.Ltmp6, $4  }
0x1f5: {  	_ = 	snop  }
0x1f6: {  	[tilespmem:s17], [sflag:$0x2] =	stream.indirect_vreg.gather [hbm4b:s8+s3], $0x80, v4, vm1, $0xb8;
	[tilespmem:$0x12000] =	vst v63  }
0x1f7: {  	s21 =	sadd.s32 $0x1, s21;
	s22 =	sadd.s32 $0x180, s22  }
0x1f8: {  	[tilespmem:s18], [sflag:$0x2] =	stream.indirect.gather [hbm4b:s5+s25], $0x80, s22, s25, $0xb8;
	[tilespmem:$0x12000] =	vst v63  }
.LBB2_11:
0x1f9: {  	_ =	sfence.sel $0x180000  }
0x1fa: {  	[bflag:$0x0] =	sbarrier.arrive $0xFFFF  }
0x1fb: {  	_ =	strace $0x90000047  }
0x1fc: {  	s0 =	stileid.u32;
	[bflag:$0x2] =	sbarrier.arrive $0xFFFF  }
0x1fd: {  	p0 =	sne.s32 s0, $0x0;
	s0 =	rddreg [dreg:$0x2]  }
0x1fe: {  	s0 =	sadd.s32 @!p0 $0x100000, s0  }
0x1ff: {  	[sflag:s0] =	ssyncadd.tile.s32 @!p0 $0x1;
	_ =	shalt  }
.Lfunc_end2:
_tile_overlayer_lowered:
.L_overlay_start_2:
0x200: {  	(tag) =	ssettag $0x2  }
0x201: {  	s0 =	rddreg [dreg:$0x0];
	s2 =	stileid.u32  }
0x202: {  	s1 =	rddreg [dreg:$0x1];
	p0 =	sne.s32 s2, $0x0  }
0x203: {  	s3 =	rddreg [dreg:$0x2];
	[bflag:$0x3] =	sbarrier.arrive $0xFFFF;
	s2 =	simm.s32 @!p0 $0x1C03  }
0x204: {  	[timem:s3], [sflag:s2] =	dma.local @!p0 [hbm:s0], s1  }
0x205: {  	s0 =	simm.s32 @!p0 $0x3  }
0x206: {  	_ =	swait.ge @!p0 [sflag:s0], s1  }
0x207: {  	s1 =	ssub.s32 @!p0 $0x0, s1;
	[sflag:s0] =	ssyncset.done @!p0 $0x0  }
0x208: {  	[sflag:s0] =	ssyncadd.s32 @!p0 s1  }
0x209: {  	[bflag:$0x3] =	sbarrier.arrive $0xFFFF  }
0x20a: {  	_ =	shalt  }

</sc_bundles>
